<compile_context>
chip_gen: v7x
topology: tpu7x:2x2x1
jax: 0.10.2.dev20260603
libtpu: 0.0.44.dev20260713+nightly
codegen_flags: <defaults>
</compile_context>

<pallas_src>
import jax
import jax.numpy as jnp
from jax import lax
from jax.experimental import pallas as pl
from jax.experimental.pallas import tpu as pltpu
from jax.experimental.pallas import tpu_sc as plsc

N_NODES = 10000
N_EDGES = 320000
L = 16
NC = 2
NS = 16
NPAD = 10240
SLICE = NPAD // NS
E_HIST = N_EDGES // NS
E_OUT = N_EDGES // (NC * NS)
TILE1 = 128
E_HIST_BUF = 20096
E_OUT_BUF = 10112


def _sc_body(pos_hbm, tail_hbm, out_hbm, hist_v, idx_v, tails_v, staged_v,
             red_v, outbuf_v, rows_sh, deg_sh, sem_tails, sem_pos, sem_out):
    cid = lax.axis_index("c")
    sid = lax.axis_index("s")
    wid = sid * NC + cid
    gbase = wid * E_OUT

    ones = jnp.ones((L,), jnp.float32)
    zeros = jnp.zeros((L,), jnp.float32)

    start_t = jnp.minimum((gbase // TILE1) * TILE1, N_EDGES - E_OUT_BUF)
    start_t = pl.multiple_of(start_t, TILE1)
    off_t = gbase - start_t

    start_h = jnp.minimum((sid * E_HIST // TILE1) * TILE1, N_EDGES - E_HIST_BUF)
    start_h = pl.multiple_of(start_h, TILE1)
    off_h = sid * E_HIST - start_h
    HSEGS = (80, 320, 320, 320, 210)
    HBOUND = (0, 1408, 6528, 11648, 16768, E_HIST_BUF)
    pos_cps = [
        pltpu.async_copy(
            pos_hbm.at[:, pl.ds(start_h + HBOUND[c], HBOUND[c + 1] - HBOUND[c])],
            idx_v.at[:, pl.ds(HBOUND[c], HBOUND[c + 1] - HBOUND[c])],
            sem_pos)
        for c in range(len(HSEGS))
    ]

    @plsc.parallel_loop(0, NPAD // L, unroll=4)
    def _zero(i):
        hist_v[pl.ds(i * L, L)] = zeros

    tails_cp = None
    base = 0
    for c in range(len(HSEGS)):
        pos_cps[c].wait()
        seg_base = base

        @plsc.parallel_loop(0, HSEGS[c], unroll=5)
        def _hist(e, _b=seg_base):
            plsc.addupdate_scatter(
                hist_v, [idx_v[1, pl.ds(off_h + (_b + e) * L, L)]], ones)
        base += HSEGS[c]
        if c == 1:
            tails_cp = pltpu.async_copy(
                tail_hbm.at[:, pl.ds(start_t, E_OUT_BUF)], tails_v, sem_tails)

    pltpu.sync_copy(hist_v, rows_sh.at[sid])
    plsc.subcore_barrier()

    col = sid * SLICE
    pltpu.sync_copy(rows_sh.at[:, pl.ds(col, SLICE)], staged_v)

    @plsc.parallel_loop(0, SLICE // L, unroll=2)
    def _reduce(j):
        acc = staged_v[0, pl.ds(j * L, L)]
        for r in range(1, NS):
            acc = acc + staged_v[r, pl.ds(j * L, L)]
        red_v[pl.ds(j * L, L)] = acc

    pltpu.sync_copy(red_v, deg_sh.at[pl.ds(col, SLICE)])
    plsc.subcore_barrier()

    pltpu.sync_copy(deg_sh, hist_v)
    tails_cp.wait()
    GSEGS = (320, 305)
    out_cps = []
    gb = 0
    for g in GSEGS:
        seg_base = gb

        @plsc.parallel_loop(0, g, unroll=5 if g == 305 else 4)
        def _gather(e, _b=seg_base):
            outbuf_v[pl.ds((_b + e) * L, L)] = plsc.load_gather(
                hist_v, [tails_v[1, pl.ds(off_t + (_b + e) * L, L)]])

        out_cps.append(pltpu.async_copy(
            outbuf_v.at[pl.ds(seg_base * L, g * L)],
            out_hbm.at[pl.ds(gbase + seg_base * L, g * L)], sem_out))
        gb += g
    for cp in out_cps:
        cp.wait()


@jax.jit
def _degree_gather(pos, tails):
    mesh = plsc.VectorSubcoreMesh(core_axis_name="c", subcore_axis_name="s")
    return pl.kernel(
        _sc_body,
        mesh=mesh,
        compiler_params=pltpu.CompilerParams(needs_layout_passes=False),
        out_type=jax.ShapeDtypeStruct((N_EDGES,), jnp.float32),
        scratch_types=[
            pltpu.VMEM((NPAD,), jnp.float32),
            pltpu.VMEM((2, E_HIST_BUF), jnp.int32),
            pltpu.VMEM((2, E_OUT_BUF), jnp.int32),
            pltpu.VMEM((NS, SLICE), jnp.float32),
            pltpu.VMEM((SLICE,), jnp.float32),
            pltpu.VMEM((E_OUT,), jnp.float32),
            pltpu.VMEM_SHARED((NS, NPAD), jnp.float32),
            pltpu.VMEM_SHARED((NPAD,), jnp.float32),
            pltpu.SemaphoreType.DMA,
            pltpu.SemaphoreType.DMA,
            pltpu.SemaphoreType.DMA,
        ],
    )(pos, tails)


def kernel(z, edge_index, pos_edge_index):
    del z
    return _degree_gather(pos_edge_index.astype(jnp.int32),
                          edge_index.astype(jnp.int32))

# --- scband reference (transcript-rebuilt; emitter-appended) ---
"""Pipeline reference for scband-degree-sorter-81475529605466 (READ-ONLY COPY).

The authoritative reference and input builder live on the scoring server;
editing this copy changes nothing except your own understanding.
"""

import jax, jax.numpy as jnp
import numpy as np

N_NODES = 10000
N_EDGES = 320000
D_FEAT = 128

def setup_inputs(seed: int = 0) -> dict:
    key = jax.random.key(seed)
    k1, k2, k3 = jax.random.split(key, 3)
    z = jax.random.normal(k1, (N_NODES, D_FEAT), dtype=jnp.float32)
    edge_index = jax.random.randint(k2, (2, N_EDGES), 0, N_NODES, dtype=jnp.int64)
    pos_edge_index = jax.random.randint(k3, (2, N_EDGES), 0, N_NODES, dtype=jnp.int64)
    return {"z": z, "edge_index": edge_index, "pos_edge_index": pos_edge_index}

def reference(z, edge_index, pos_edge_index):
    # torch_geometric degree: scatter-add of ones over dst indices, float32 default dtype
    tail_nodes = edge_index[1, :]
    degrees = jnp.zeros((z.shape[0],), dtype=jnp.float32).at[pos_edge_index[1, :]].add(1.0)
    return degrees[tail_nodes]

if __name__ == "__main__":
    import jax
    _d = setup_inputs()
    print(jax.jit(kernel)(*tuple(_d.values())))

</pallas_src>

<mosaic_0001>
#map = affine_map<(d0, d1) -> (0, 0)>
#map1 = affine_map<(d0, d1) -> (0)>
module attributes {stable_mosaic.version = 14 : i64} {
  func.func @_sc_body(%arg0: i32, %arg1: i32, %arg2: memref<2x320000xi32, #tpu.memory_space<hbm>>, %arg3: memref<2x320000xi32, #tpu.memory_space<hbm>>, %arg4: memref<320000xf32, #tpu.memory_space<hbm>>, %arg5: memref<10240xf32, #tpu.memory_space<vmem>>, %arg6: memref<2x20096xi32, #tpu.memory_space<vmem>>, %arg7: memref<2x10112xi32, #tpu.memory_space<vmem>>, %arg8: memref<16x640xf32, #tpu.memory_space<vmem>>, %arg9: memref<640xf32, #tpu.memory_space<vmem>>, %arg10: memref<10000xf32, #tpu.memory_space<vmem>>, %arg11: memref<16x10240xf32, #tpu.memory_space<vmem_shared>>, %arg12: memref<10240xf32, #tpu.memory_space<vmem_shared>>, %arg13: memref<!tpu.dma_semaphore, #tpu.memory_space<semaphore_mem>>, %arg14: memref<!tpu.dma_semaphore, #tpu.memory_space<semaphore_mem>>, %arg15: memref<!tpu.dma_semaphore, #tpu.memory_space<semaphore_mem>>) attributes {dimension_semantics = [#tpu.dimension_semantics<core_parallel>, #tpu.dimension_semantics<subcore_parallel>], iteration_bounds = array<i64: 2, 16>, scalar_prefetch = 0 : i64, scratch_operands = 11 : i64, tpu.core_type = #tpu.core_type<sc_vector_subcore>, window_params = [{transform_indices = #map}, {transform_indices = #map}, {transform_indices = #map1}]} {
    %mul3A = arith.constant 2 : i32
    %mul3A_0 = arith.muli %arg1, %mul3A : i32
    %add3A = arith.addi %mul3A_0, %arg0 : i32
    %mul3A_1 = arith.constant 10000 : i32
    %mul3A_2 = arith.muli %add3A, %mul3A_1 : i32
    %broadcast_in_dim3A = arith.constant 1.000000e+00 : f32
    %broadcast_in_dim3A_3 = vector.broadcast %broadcast_in_dim3A : f32 to vector<16xf32>
    %broadcast_in_dim3A_4 = arith.constant 0.000000e+00 : f32
    %broadcast_in_dim3A_5 = vector.broadcast %broadcast_in_dim3A_4 : f32 to vector<16xf32>
    %jit3A = arith.constant 128 : i32
    %div3A = arith.divsi %mul3A_2, %jit3A : i32
    %sign3A = arith.constant 0 : i32
    %sign3A_6 = arith.cmpi sgt, %mul3A_2, %sign3A : i32
    %sign3A_7 = arith.extui %sign3A_6 : i1 to i32
    %sign3A_8 = arith.constant 0 : i32
    %sign3A_9 = arith.cmpi slt, %mul3A_2, %sign3A_8 : i32
    %sign3A_10 = arith.extui %sign3A_9 : i1 to i32
    %sign3A_11 = arith.subi %sign3A_7, %sign3A_10 : i32
    %sign3A_12 = arith.constant 0 : i32
    %sign3A_13 = arith.cmpi sgt, %jit3A, %sign3A_12 : i32
    %sign3A_14 = arith.extui %sign3A_13 : i1 to i32
    %sign3A_15 = arith.constant 0 : i32
    %sign3A_16 = arith.cmpi slt, %jit3A, %sign3A_15 : i32
    %sign3A_17 = arith.extui %sign3A_16 : i1 to i32
    %sign3A_18 = arith.subi %sign3A_14, %sign3A_17 : i32
    %ne3A = arith.cmpi ne, %sign3A_11, %sign3A_18 : i32
    %rem3A = arith.remsi %mul3A_2, %jit3A : i32
    %ne3A_19 = arith.constant 0 : i32
    %ne3A_20 = arith.cmpi ne, %rem3A, %ne3A_19 : i32
    %and3A = arith.andi %ne3A, %ne3A_20 : i1
    %sub3A = arith.constant 1 : i32
    %sub3A_21 = arith.subi %div3A, %sub3A : i32
    %select_n3A = arith.select %and3A, %sub3A_21, %div3A : i32
    %mul3A_22 = arith.constant 128 : i32
    %mul3A_23 = arith.muli %select_n3A, %mul3A_22 : i32
    %min3A = arith.constant 309888 : i32
    %min3A_24 = arith.minsi %mul3A_23, %min3A : i32
    %multiple_of3A = tpu.assume_multiple %min3A_24, 128 : i32
    %sub3A_25 = arith.subi %mul3A_2, %multiple_of3A : i32
    %mul3A_26 = arith.constant 20000 : i32
    %mul3A_27 = arith.muli %arg1, %mul3A_26 : i32
    %jit3A_28 = arith.constant 128 : i32
    %div3A_29 = arith.divsi %mul3A_27, %jit3A_28 : i32
    %sign3A_30 = arith.constant 0 : i32
    %sign3A_31 = arith.cmpi sgt, %mul3A_27, %sign3A_30 : i32
    %sign3A_32 = arith.extui %sign3A_31 : i1 to i32
    %sign3A_33 = arith.constant 0 : i32
    %sign3A_34 = arith.cmpi slt, %mul3A_27, %sign3A_33 : i32
    %sign3A_35 = arith.extui %sign3A_34 : i1 to i32
    %sign3A_36 = arith.subi %sign3A_32, %sign3A_35 : i32
    %sign3A_37 = arith.constant 0 : i32
    %sign3A_38 = arith.cmpi sgt, %jit3A_28, %sign3A_37 : i32
    %sign3A_39 = arith.extui %sign3A_38 : i1 to i32
    %sign3A_40 = arith.constant 0 : i32
    %sign3A_41 = arith.cmpi slt, %jit3A_28, %sign3A_40 : i32
    %sign3A_42 = arith.extui %sign3A_41 : i1 to i32
    %sign3A_43 = arith.subi %sign3A_39, %sign3A_42 : i32
    %ne3A_44 = arith.cmpi ne, %sign3A_36, %sign3A_43 : i32
    %rem3A_45 = arith.remsi %mul3A_27, %jit3A_28 : i32
    %ne3A_46 = arith.constant 0 : i32
    %ne3A_47 = arith.cmpi ne, %rem3A_45, %ne3A_46 : i32
    %and3A_48 = arith.andi %ne3A_44, %ne3A_47 : i1
    %sub3A_49 = arith.constant 1 : i32
    %sub3A_50 = arith.subi %div3A_29, %sub3A_49 : i32
    %select_n3A_51 = arith.select %and3A_48, %sub3A_50, %div3A_29 : i32
    %mul3A_52 = arith.constant 128 : i32
    %mul3A_53 = arith.muli %select_n3A_51, %mul3A_52 : i32
    %min3A_54 = arith.constant 299904 : i32
    %min3A_55 = arith.minsi %mul3A_53, %min3A_54 : i32
    %multiple_of3A_56 = tpu.assume_multiple %min3A_55, 128 : i32
    %mul3A_57 = arith.constant 20000 : i32
    %mul3A_58 = arith.muli %arg1, %mul3A_57 : i32
    %sub3A_59 = arith.subi %mul3A_58, %multiple_of3A_56 : i32
    %add3A_60 = arith.constant 0 : i32
    %add3A_61 = arith.addi %multiple_of3A_56, %add3A_60 : i32
    %dma_start3A = arith.constant 0 : i32
    %dma_start3A_62 = arith.constant 0 : i32
    %dma_start3A_63 = tpu.memref_slice %arg6[%dma_start3A, %dma_start3A_62] : memref<2x20096xi32, #tpu.memory_space<vmem>> -> memref<2x1408xi32, #tpu.memory_space<vmem>>
    %dma_start3A_64 = arith.constant 0 : i32
    %dma_start3A_65 = tpu.memref_slice %arg2[%dma_start3A_64, %add3A_61] : memref<2x320000xi32, #tpu.memory_space<hbm>> -> memref<2x1408xi32, #tpu.memory_space<hbm>>
    %dma_start3A_66 = arith.constant 0 : i32
    %dma_start3A_67 = arith.constant 0 : i32
    %dma_start3A_68 = tpu.memref_slice %arg6[%dma_start3A_66, %dma_start3A_67] : memref<2x20096xi32, #tpu.memory_space<vmem>> -> memref<2x1408xi32, #tpu.memory_space<vmem>>
    %dma_start3A_69 = arith.constant 0 : i32
    %dma_start3A_70 = tpu.memref_slice %arg2[%dma_start3A_69, %add3A_61] : memref<2x320000xi32, #tpu.memory_space<hbm>> -> memref<2x1408xi32, #tpu.memory_space<hbm>>
    tpu.enqueue_dma source(%dma_start3A_70 : memref<2x1408xi32, #tpu.memory_space<hbm>>) target(%dma_start3A_68 : memref<2x1408xi32, #tpu.memory_space<vmem>>) target_semaphore(%arg14 : memref<!tpu.dma_semaphore, #tpu.memory_space<semaphore_mem>>)
    %add3A_71 = arith.constant 1408 : i32
    %add3A_72 = arith.addi %multiple_of3A_56, %add3A_71 : i32
    %dma_start3A_73 = arith.constant 0 : i32
    %dma_start3A_74 = arith.constant 1408 : i32
    %dma_start3A_75 = tpu.memref_slice %arg6[%dma_start3A_73, %dma_start3A_74] : memref<2x20096xi32, #tpu.memory_space<vmem>> -> memref<2x5120xi32, #tpu.memory_space<vmem>>
    %dma_start3A_76 = arith.constant 0 : i32
    %dma_start3A_77 = tpu.memref_slice %arg2[%dma_start3A_76, %add3A_72] : memref<2x320000xi32, #tpu.memory_space<hbm>> -> memref<2x5120xi32, #tpu.memory_space<hbm>>
    %dma_start3A_78 = arith.constant 0 : i32
    %dma_start3A_79 = arith.constant 1408 : i32
    %dma_start3A_80 = tpu.memref_slice %arg6[%dma_start3A_78, %dma_start3A_79] : memref<2x20096xi32, #tpu.memory_space<vmem>> -> memref<2x5120xi32, #tpu.memory_space<vmem>>
    %dma_start3A_81 = arith.constant 0 : i32
    %dma_start3A_82 = tpu.memref_slice %arg2[%dma_start3A_81, %add3A_72] : memref<2x320000xi32, #tpu.memory_space<hbm>> -> memref<2x5120xi32, #tpu.memory_space<hbm>>
    tpu.enqueue_dma source(%dma_start3A_82 : memref<2x5120xi32, #tpu.memory_space<hbm>>) target(%dma_start3A_80 : memref<2x5120xi32, #tpu.memory_space<vmem>>) target_semaphore(%arg14 : memref<!tpu.dma_semaphore, #tpu.memory_space<semaphore_mem>>)
    %add3A_83 = arith.constant 6528 : i32
    %add3A_84 = arith.addi %multiple_of3A_56, %add3A_83 : i32
    %dma_start3A_85 = arith.constant 0 : i32
    %dma_start3A_86 = arith.constant 6528 : i32
    %dma_start3A_87 = tpu.memref_slice %arg6[%dma_start3A_85, %dma_start3A_86] : memref<2x20096xi32, #tpu.memory_space<vmem>> -> memref<2x5120xi32, #tpu.memory_space<vmem>>
    %dma_start3A_88 = arith.constant 0 : i32
    %dma_start3A_89 = tpu.memref_slice %arg2[%dma_start3A_88, %add3A_84] : memref<2x320000xi32, #tpu.memory_space<hbm>> -> memref<2x5120xi32, #tpu.memory_space<hbm>>
    %dma_start3A_90 = arith.constant 0 : i32
    %dma_start3A_91 = arith.constant 6528 : i32
    %dma_start3A_92 = tpu.memref_slice %arg6[%dma_start3A_90, %dma_start3A_91] : memref<2x20096xi32, #tpu.memory_space<vmem>> -> memref<2x5120xi32, #tpu.memory_space<vmem>>
    %dma_start3A_93 = arith.constant 0 : i32
    %dma_start3A_94 = tpu.memref_slice %arg2[%dma_start3A_93, %add3A_84] : memref<2x320000xi32, #tpu.memory_space<hbm>> -> memref<2x5120xi32, #tpu.memory_space<hbm>>
    tpu.enqueue_dma source(%dma_start3A_94 : memref<2x5120xi32, #tpu.memory_space<hbm>>) target(%dma_start3A_92 : memref<2x5120xi32, #tpu.memory_space<vmem>>) target_semaphore(%arg14 : memref<!tpu.dma_semaphore, #tpu.memory_space<semaphore_mem>>)
    %add3A_95 = arith.constant 11648 : i32
    %add3A_96 = arith.addi %multiple_of3A_56, %add3A_95 : i32
    %dma_start3A_97 = arith.constant 0 : i32
    %dma_start3A_98 = arith.constant 11648 : i32
    %dma_start3A_99 = tpu.memref_slice %arg6[%dma_start3A_97, %dma_start3A_98] : memref<2x20096xi32, #tpu.memory_space<vmem>> -> memref<2x5120xi32, #tpu.memory_space<vmem>>
    %dma_start3A_100 = arith.constant 0 : i32
    %dma_start3A_101 = tpu.memref_slice %arg2[%dma_start3A_100, %add3A_96] : memref<2x320000xi32, #tpu.memory_space<hbm>> -> memref<2x5120xi32, #tpu.memory_space<hbm>>
    %dma_start3A_102 = arith.constant 0 : i32
    %dma_start3A_103 = arith.constant 11648 : i32
    %dma_start3A_104 = tpu.memref_slice %arg6[%dma_start3A_102, %dma_start3A_103] : memref<2x20096xi32, #tpu.memory_space<vmem>> -> memref<2x5120xi32, #tpu.memory_space<vmem>>
    %dma_start3A_105 = arith.constant 0 : i32
    %dma_start3A_106 = tpu.memref_slice %arg2[%dma_start3A_105, %add3A_96] : memref<2x320000xi32, #tpu.memory_space<hbm>> -> memref<2x5120xi32, #tpu.memory_space<hbm>>
    tpu.enqueue_dma source(%dma_start3A_106 : memref<2x5120xi32, #tpu.memory_space<hbm>>) target(%dma_start3A_104 : memref<2x5120xi32, #tpu.memory_space<vmem>>) target_semaphore(%arg14 : memref<!tpu.dma_semaphore, #tpu.memory_space<semaphore_mem>>)
    %add3A_107 = arith.constant 16768 : i32
    %add3A_108 = arith.addi %multiple_of3A_56, %add3A_107 : i32
    %dma_start3A_109 = arith.constant 0 : i32
    %dma_start3A_110 = arith.constant 16768 : i32
    %dma_start3A_111 = tpu.memref_slice %arg6[%dma_start3A_109, %dma_start3A_110] : memref<2x20096xi32, #tpu.memory_space<vmem>> -> memref<2x3328xi32, #tpu.memory_space<vmem>>
    %dma_start3A_112 = arith.constant 0 : i32
    %dma_start3A_113 = tpu.memref_slice %arg2[%dma_start3A_112, %add3A_108] : memref<2x320000xi32, #tpu.memory_space<hbm>> -> memref<2x3328xi32, #tpu.memory_space<hbm>>
    %dma_start3A_114 = arith.constant 0 : i32
    %dma_start3A_115 = arith.constant 16768 : i32
    %dma_start3A_116 = tpu.memref_slice %arg6[%dma_start3A_114, %dma_start3A_115] : memref<2x20096xi32, #tpu.memory_space<vmem>> -> memref<2x3328xi32, #tpu.memory_space<vmem>>
    %dma_start3A_117 = arith.constant 0 : i32
    %dma_start3A_118 = tpu.memref_slice %arg2[%dma_start3A_117, %add3A_108] : memref<2x320000xi32, #tpu.memory_space<hbm>> -> memref<2x3328xi32, #tpu.memory_space<hbm>>
    tpu.enqueue_dma source(%dma_start3A_118 : memref<2x3328xi32, #tpu.memory_space<hbm>>) target(%dma_start3A_116 : memref<2x3328xi32, #tpu.memory_space<vmem>>) target_semaphore(%arg14 : memref<!tpu.dma_semaphore, #tpu.memory_space<semaphore_mem>>)
    %parallel_loop3A = arith.constant 0 : i32
    %parallel_loop3A_119 = arith.constant 640 : i32
    %parallel_loop3A_120 = arith.constant 1 : i32
    scf.for %parallel_loop3A_233 = %parallel_loop3A to %parallel_loop3A_119 step %parallel_loop3A_120  : i32 {
      %parallel_loop3A_234 = arith.constant 16 : i32
      %parallel_loop3A_235 = arith.muli %parallel_loop3A_233, %parallel_loop3A_234 : i32
      %parallel_loop3A_236 = arith.index_cast %parallel_loop3A_235 : i32 to index
      %parallel_loop3A_237 = tpu.vector_load %arg5[%parallel_loop3A_236] {strides = array<i32>} : memref<10240xf32, #tpu.memory_space<vmem>>, vector<16xf32>,
      tpu.vector_store %arg5[%parallel_loop3A_236], %broadcast_in_dim3A_5 {strides = array<i32>} : memref<10240xf32, #tpu.memory_space<vmem>>, vector<16xf32>,
    } {sc.loop_unroll_factor = 4 : i64, sc.parallel_access}
    %dma_wait3A = arith.constant 0 : i32
    %dma_wait3A_121 = arith.constant 0 : i32
    %dma_wait3A_122 = tpu.memref_slice %arg6[%dma_wait3A, %dma_wait3A_121] : memref<2x20096xi32, #tpu.memory_space<vmem>> -> memref<2x1408xi32, #tpu.memory_space<vmem>>
    %dma_wait3A_123 = arith.constant 0 : i32
    %dma_wait3A_124 = tpu.memref_slice %arg2[%dma_wait3A_123, %add3A_61] : memref<2x320000xi32, #tpu.memory_space<hbm>> -> memref<2x1408xi32, #tpu.memory_space<hbm>>
    %dma_wait3A_125 = arith.constant 0 : i32
    %dma_wait3A_126 = arith.constant 0 : i32
    %dma_wait3A_127 = tpu.memref_slice %arg6[%dma_wait3A_125, %dma_wait3A_126] : memref<2x20096xi32, #tpu.memory_space<vmem>> -> memref<2x1408xi32, #tpu.memory_space<vmem>>
    %dma_wait3A_128 = arith.constant 0 : i32
    %dma_wait3A_129 = tpu.memref_slice %arg2[%dma_wait3A_128, %add3A_61] : memref<2x320000xi32, #tpu.memory_space<hbm>> -> memref<2x1408xi32, #tpu.memory_space<hbm>>
    tpu.wait_dma2 semaphore(%arg14 : memref<!tpu.dma_semaphore, #tpu.memory_space<semaphore_mem>>) src(%dma_wait3A_129 : memref<2x1408xi32, #tpu.memory_space<hbm>>) dst(%dma_wait3A_127 : memref<2x1408xi32, #tpu.memory_space<vmem>>)
    %parallel_loop3A_130 = arith.constant 0 : i32
    %parallel_loop3A_131 = arith.constant 80 : i32
    %parallel_loop3A_132 = arith.constant 1 : i32
    scf.for %parallel_loop3A_233 = %parallel_loop3A_130 to %parallel_loop3A_131 step %parallel_loop3A_132  : i32 {
      %parallel_loop3A_234 = arith.constant 0 : i32
      %parallel_loop3A_235 = arith.addi %parallel_loop3A_234, %parallel_loop3A_233 : i32
      %parallel_loop3A_236 = arith.constant 16 : i32
      %parallel_loop3A_237 = arith.muli %parallel_loop3A_235, %parallel_loop3A_236 : i32
      %parallel_loop3A_238 = arith.addi %sub3A_59, %parallel_loop3A_237 : i32
      %parallel_loop3A_239 = arith.constant 1 : i32
      %parallel_loop3A_240 = arith.index_cast %parallel_loop3A_239 : i32 to index
      %parallel_loop3A_241 = arith.index_cast %parallel_loop3A_238 : i32 to index
      %parallel_loop3A_242 = tpu.vector_load %arg6[%parallel_loop3A_240, %parallel_loop3A_241] {strides = array<i32>} : memref<2x20096xi32, #tpu.memory_space<vmem>>, vector<16xi32>,
      tpu.vector_store_idx %arg5[%parallel_loop3A_242], %broadcast_in_dim3A_3 {add = true} : memref<10240xf32, #tpu.memory_space<vmem>>[vector<16xi32>], vector<16xf32>,
    } {sc.loop_unroll_factor = 5 : i64, sc.parallel_access}
    %dma_wait3A_133 = arith.constant 0 : i32
    %dma_wait3A_134 = arith.constant 1408 : i32
    %dma_wait3A_135 = tpu.memref_slice %arg6[%dma_wait3A_133, %dma_wait3A_134] : memref<2x20096xi32, #tpu.memory_space<vmem>> -> memref<2x5120xi32, #tpu.memory_space<vmem>>
    %dma_wait3A_136 = arith.constant 0 : i32
    %dma_wait3A_137 = tpu.memref_slice %arg2[%dma_wait3A_136, %add3A_72] : memref<2x320000xi32, #tpu.memory_space<hbm>> -> memref<2x5120xi32, #tpu.memory_space<hbm>>
    %dma_wait3A_138 = arith.constant 0 : i32
    %dma_wait3A_139 = arith.constant 1408 : i32
    %dma_wait3A_140 = tpu.memref_slice %arg6[%dma_wait3A_138, %dma_wait3A_139] : memref<2x20096xi32, #tpu.memory_space<vmem>> -> memref<2x5120xi32, #tpu.memory_space<vmem>>
    %dma_wait3A_141 = arith.constant 0 : i32
    %dma_wait3A_142 = tpu.memref_slice %arg2[%dma_wait3A_141, %add3A_72] : memref<2x320000xi32, #tpu.memory_space<hbm>> -> memref<2x5120xi32, #tpu.memory_space<hbm>>
    tpu.wait_dma2 semaphore(%arg14 : memref<!tpu.dma_semaphore, #tpu.memory_space<semaphore_mem>>) src(%dma_wait3A_142 : memref<2x5120xi32, #tpu.memory_space<hbm>>) dst(%dma_wait3A_140 : memref<2x5120xi32, #tpu.memory_space<vmem>>)
    %parallel_loop3A_143 = arith.constant 0 : i32
    %parallel_loop3A_144 = arith.constant 320 : i32
    %parallel_loop3A_145 = arith.constant 1 : i32
    scf.for %parallel_loop3A_233 = %parallel_loop3A_143 to %parallel_loop3A_144 step %parallel_loop3A_145  : i32 {
      %parallel_loop3A_234 = arith.constant 80 : i32
      %parallel_loop3A_235 = arith.addi %parallel_loop3A_234, %parallel_loop3A_233 : i32
      %parallel_loop3A_236 = arith.constant 16 : i32
      %parallel_loop3A_237 = arith.muli %parallel_loop3A_235, %parallel_loop3A_236 : i32
      %parallel_loop3A_238 = arith.addi %sub3A_59, %parallel_loop3A_237 : i32
      %parallel_loop3A_239 = arith.constant 1 : i32
      %parallel_loop3A_240 = arith.index_cast %parallel_loop3A_239 : i32 to index
      %parallel_loop3A_241 = arith.index_cast %parallel_loop3A_238 : i32 to index
      %parallel_loop3A_242 = tpu.vector_load %arg6[%parallel_loop3A_240, %parallel_loop3A_241] {strides = array<i32>} : memref<2x20096xi32, #tpu.memory_space<vmem>>, vector<16xi32>,
      tpu.vector_store_idx %arg5[%parallel_loop3A_242], %broadcast_in_dim3A_3 {add = true} : memref<10240xf32, #tpu.memory_space<vmem>>[vector<16xi32>], vector<16xf32>,
    } {sc.loop_unroll_factor = 5 : i64, sc.parallel_access}
    %dma_start3A_146 = arith.constant 0 : i32
    %dma_start3A_147 = tpu.memref_slice %arg3[%dma_start3A_146, %multiple_of3A] : memref<2x320000xi32, #tpu.memory_space<hbm>> -> memref<2x10112xi32, #tpu.memory_space<hbm>>
    %dma_start3A_148 = arith.constant 0 : i32
    %dma_start3A_149 = tpu.memref_slice %arg3[%dma_start3A_148, %multiple_of3A] : memref<2x320000xi32, #tpu.memory_space<hbm>> -> memref<2x10112xi32, #tpu.memory_space<hbm>>
    tpu.enqueue_dma source(%dma_start3A_149 : memref<2x10112xi32, #tpu.memory_space<hbm>>) target(%arg7 : memref<2x10112xi32, #tpu.memory_space<vmem>>) target_semaphore(%arg13 : memref<!tpu.dma_semaphore, #tpu.memory_space<semaphore_mem>>)
    %dma_wait3A_150 = arith.constant 0 : i32
    %dma_wait3A_151 = arith.constant 6528 : i32
    %dma_wait3A_152 = tpu.memref_slice %arg6[%dma_wait3A_150, %dma_wait3A_151] : memref<2x20096xi32, #tpu.memory_space<vmem>> -> memref<2x5120xi32, #tpu.memory_space<vmem>>
    %dma_wait3A_153 = arith.constant 0 : i32
    %dma_wait3A_154 = tpu.memref_slice %arg2[%dma_wait3A_153, %add3A_84] : memref<2x320000xi32, #tpu.memory_space<hbm>> -> memref<2x5120xi32, #tpu.memory_space<hbm>>
    %dma_wait3A_155 = arith.constant 0 : i32
    %dma_wait3A_156 = arith.constant 6528 : i32
    %dma_wait3A_157 = tpu.memref_slice %arg6[%dma_wait3A_155, %dma_wait3A_156] : memref<2x20096xi32, #tpu.memory_space<vmem>> -> memref<2x5120xi32, #tpu.memory_space<vmem>>
    %dma_wait3A_158 = arith.constant 0 : i32
    %dma_wait3A_159 = tpu.memref_slice %arg2[%dma_wait3A_158, %add3A_84] : memref<2x320000xi32, #tpu.memory_space<hbm>> -> memref<2x5120xi32, #tpu.memory_space<hbm>>
    tpu.wait_dma2 semaphore(%arg14 : memref<!tpu.dma_semaphore, #tpu.memory_space<semaphore_mem>>) src(%dma_wait3A_159 : memref<2x5120xi32, #tpu.memory_space<hbm>>) dst(%dma_wait3A_157 : memref<2x5120xi32, #tpu.memory_space<vmem>>)
    %parallel_loop3A_160 = arith.constant 0 : i32
    %parallel_loop3A_161 = arith.constant 320 : i32
    %parallel_loop3A_162 = arith.constant 1 : i32
    scf.for %parallel_loop3A_233 = %parallel_loop3A_160 to %parallel_loop3A_161 step %parallel_loop3A_162  : i32 {
      %parallel_loop3A_234 = arith.constant 400 : i32
      %parallel_loop3A_235 = arith.addi %parallel_loop3A_234, %parallel_loop3A_233 : i32
      %parallel_loop3A_236 = arith.constant 16 : i32
      %parallel_loop3A_237 = arith.muli %parallel_loop3A_235, %parallel_loop3A_236 : i32
      %parallel_loop3A_238 = arith.addi %sub3A_59, %parallel_loop3A_237 : i32
      %parallel_loop3A_239 = arith.constant 1 : i32
      %parallel_loop3A_240 = arith.index_cast %parallel_loop3A_239 : i32 to index
      %parallel_loop3A_241 = arith.index_cast %parallel_loop3A_238 : i32 to index
      %parallel_loop3A_242 = tpu.vector_load %arg6[%parallel_loop3A_240, %parallel_loop3A_241] {strides = array<i32>} : memref<2x20096xi32, #tpu.memory_space<vmem>>, vector<16xi32>,
      tpu.vector_store_idx %arg5[%parallel_loop3A_242], %broadcast_in_dim3A_3 {add = true} : memref<10240xf32, #tpu.memory_space<vmem>>[vector<16xi32>], vector<16xf32>,
    } {sc.loop_unroll_factor = 5 : i64, sc.parallel_access}
    %dma_wait3A_163 = arith.constant 0 : i32
    %dma_wait3A_164 = arith.constant 11648 : i32
    %dma_wait3A_165 = tpu.memref_slice %arg6[%dma_wait3A_163, %dma_wait3A_164] : memref<2x20096xi32, #tpu.memory_space<vmem>> -> memref<2x5120xi32, #tpu.memory_space<vmem>>
    %dma_wait3A_166 = arith.constant 0 : i32
    %dma_wait3A_167 = tpu.memref_slice %arg2[%dma_wait3A_166, %add3A_96] : memref<2x320000xi32, #tpu.memory_space<hbm>> -> memref<2x5120xi32, #tpu.memory_space<hbm>>
    %dma_wait3A_168 = arith.constant 0 : i32
    %dma_wait3A_169 = arith.constant 11648 : i32
    %dma_wait3A_170 = tpu.memref_slice %arg6[%dma_wait3A_168, %dma_wait3A_169] : memref<2x20096xi32, #tpu.memory_space<vmem>> -> memref<2x5120xi32, #tpu.memory_space<vmem>>
    %dma_wait3A_171 = arith.constant 0 : i32
    %dma_wait3A_172 = tpu.memref_slice %arg2[%dma_wait3A_171, %add3A_96] : memref<2x320000xi32, #tpu.memory_space<hbm>> -> memref<2x5120xi32, #tpu.memory_space<hbm>>
    tpu.wait_dma2 semaphore(%arg14 : memref<!tpu.dma_semaphore, #tpu.memory_space<semaphore_mem>>) src(%dma_wait3A_172 : memref<2x5120xi32, #tpu.memory_space<hbm>>) dst(%dma_wait3A_170 : memref<2x5120xi32, #tpu.memory_space<vmem>>)
    %parallel_loop3A_173 = arith.constant 0 : i32
    %parallel_loop3A_174 = arith.constant 320 : i32
    %parallel_loop3A_175 = arith.constant 1 : i32
    scf.for %parallel_loop3A_233 = %parallel_loop3A_173 to %parallel_loop3A_174 step %parallel_loop3A_175  : i32 {
      %parallel_loop3A_234 = arith.constant 720 : i32
      %parallel_loop3A_235 = arith.addi %parallel_loop3A_234, %parallel_loop3A_233 : i32
      %parallel_loop3A_236 = arith.constant 16 : i32
      %parallel_loop3A_237 = arith.muli %parallel_loop3A_235, %parallel_loop3A_236 : i32
      %parallel_loop3A_238 = arith.addi %sub3A_59, %parallel_loop3A_237 : i32
      %parallel_loop3A_239 = arith.constant 1 : i32
      %parallel_loop3A_240 = arith.index_cast %parallel_loop3A_239 : i32 to index
      %parallel_loop3A_241 = arith.index_cast %parallel_loop3A_238 : i32 to index
      %parallel_loop3A_242 = tpu.vector_load %arg6[%parallel_loop3A_240, %parallel_loop3A_241] {strides = array<i32>} : memref<2x20096xi32, #tpu.memory_space<vmem>>, vector<16xi32>,
      tpu.vector_store_idx %arg5[%parallel_loop3A_242], %broadcast_in_dim3A_3 {add = true} : memref<10240xf32, #tpu.memory_space<vmem>>[vector<16xi32>], vector<16xf32>,
    } {sc.loop_unroll_factor = 5 : i64, sc.parallel_access}
    %dma_wait3A_176 = arith.constant 0 : i32
    %dma_wait3A_177 = arith.constant 16768 : i32
    %dma_wait3A_178 = tpu.memref_slice %arg6[%dma_wait3A_176, %dma_wait3A_177] : memref<2x20096xi32, #tpu.memory_space<vmem>> -> memref<2x3328xi32, #tpu.memory_space<vmem>>
    %dma_wait3A_179 = arith.constant 0 : i32
    %dma_wait3A_180 = tpu.memref_slice %arg2[%dma_wait3A_179, %add3A_108] : memref<2x320000xi32, #tpu.memory_space<hbm>> -> memref<2x3328xi32, #tpu.memory_space<hbm>>
    %dma_wait3A_181 = arith.constant 0 : i32
    %dma_wait3A_182 = arith.constant 16768 : i32
    %dma_wait3A_183 = tpu.memref_slice %arg6[%dma_wait3A_181, %dma_wait3A_182] : memref<2x20096xi32, #tpu.memory_space<vmem>> -> memref<2x3328xi32, #tpu.memory_space<vmem>>
    %dma_wait3A_184 = arith.constant 0 : i32
    %dma_wait3A_185 = tpu.memref_slice %arg2[%dma_wait3A_184, %add3A_108] : memref<2x320000xi32, #tpu.memory_space<hbm>> -> memref<2x3328xi32, #tpu.memory_space<hbm>>
    tpu.wait_dma2 semaphore(%arg14 : memref<!tpu.dma_semaphore, #tpu.memory_space<semaphore_mem>>) src(%dma_wait3A_185 : memref<2x3328xi32, #tpu.memory_space<hbm>>) dst(%dma_wait3A_183 : memref<2x3328xi32, #tpu.memory_space<vmem>>)
    %parallel_loop3A_186 = arith.constant 0 : i32
    %parallel_loop3A_187 = arith.constant 210 : i32
    %parallel_loop3A_188 = arith.constant 1 : i32
    scf.for %parallel_loop3A_233 = %parallel_loop3A_186 to %parallel_loop3A_187 step %parallel_loop3A_188  : i32 {
      %parallel_loop3A_234 = arith.constant 1040 : i32
      %parallel_loop3A_235 = arith.addi %parallel_loop3A_234, %parallel_loop3A_233 : i32
      %parallel_loop3A_236 = arith.constant 16 : i32
      %parallel_loop3A_237 = arith.muli %parallel_loop3A_235, %parallel_loop3A_236 : i32
      %parallel_loop3A_238 = arith.addi %sub3A_59, %parallel_loop3A_237 : i32
      %parallel_loop3A_239 = arith.constant 1 : i32
      %parallel_loop3A_240 = arith.index_cast %parallel_loop3A_239 : i32 to index
      %parallel_loop3A_241 = arith.index_cast %parallel_loop3A_238 : i32 to index
      %parallel_loop3A_242 = tpu.vector_load %arg6[%parallel_loop3A_240, %parallel_loop3A_241] {strides = array<i32>} : memref<2x20096xi32, #tpu.memory_space<vmem>>, vector<16xi32>,
      tpu.vector_store_idx %arg5[%parallel_loop3A_242], %broadcast_in_dim3A_3 {add = true} : memref<10240xf32, #tpu.memory_space<vmem>>[vector<16xi32>], vector<16xf32>,
    } {sc.loop_unroll_factor = 5 : i64, sc.parallel_access}
    "tpu.region"() ({
      %run_scoped3A = tpu.sem_alloc : memref<!tpu.dma_semaphore, #tpu.memory_space<semaphore_mem>>
      %dma_start3A_233 = arith.constant 0 : i32
      %dma_start3A_234 = tpu.memref_slice %arg11[%arg1, %dma_start3A_233] : memref<16x10240xf32, #tpu.memory_space<vmem_shared>> -> memref<1x10240xf32, #tpu.memory_space<vmem_shared>>
      %dma_start3A_235 = tpu.memref_squeeze %dma_start3A_234 : memref<1x10240xf32, #tpu.memory_space<vmem_shared>> -> memref<10240xf32, #tpu.memory_space<vmem_shared>>
      %dma_start3A_236 = arith.constant 0 : i32
      %dma_start3A_237 = tpu.memref_slice %arg11[%arg1, %dma_start3A_236] : memref<16x10240xf32, #tpu.memory_space<vmem_shared>> -> memref<1x10240xf32, #tpu.memory_space<vmem_shared>>
      %dma_start3A_238 = tpu.memref_squeeze %dma_start3A_237 : memref<1x10240xf32, #tpu.memory_space<vmem_shared>> -> memref<10240xf32, #tpu.memory_space<vmem_shared>>
      tpu.enqueue_dma source(%arg5 : memref<10240xf32, #tpu.memory_space<vmem>>) target(%dma_start3A_238 : memref<10240xf32, #tpu.memory_space<vmem_shared>>) target_semaphore(%run_scoped3A : memref<!tpu.dma_semaphore, #tpu.memory_space<semaphore_mem>>)
      %dma_wait3A_239 = arith.constant 0 : i32
      %dma_wait3A_240 = tpu.memref_slice %arg11[%arg1, %dma_wait3A_239] : memref<16x10240xf32, #tpu.memory_space<vmem_shared>> -> memref<1x10240xf32, #tpu.memory_space<vmem_shared>>
      %dma_wait3A_241 = tpu.memref_squeeze %dma_wait3A_240 : memref<1x10240xf32, #tpu.memory_space<vmem_shared>> -> memref<10240xf32, #tpu.memory_space<vmem_shared>>
      %dma_wait3A_242 = arith.constant 0 : i32
      %dma_wait3A_243 = tpu.memref_slice %arg11[%arg1, %dma_wait3A_242] : memref<16x10240xf32, #tpu.memory_space<vmem_shared>> -> memref<1x10240xf32, #tpu.memory_space<vmem_shared>>
      %dma_wait3A_244 = tpu.memref_squeeze %dma_wait3A_243 : memref<1x10240xf32, #tpu.memory_space<vmem_shared>> -> memref<10240xf32, #tpu.memory_space<vmem_shared>>
      tpu.wait_dma2 semaphore(%run_scoped3A : memref<!tpu.dma_semaphore, #tpu.memory_space<semaphore_mem>>) src(%arg5 : memref<10240xf32, #tpu.memory_space<vmem>>) dst(%dma_wait3A_244 : memref<10240xf32, #tpu.memory_space<vmem_shared>>)
      tpu.yield
    }) : () -> ()
    %barrier3A = arith.constant 0 : index
    tpu.barrier barrier_id(%barrier3A)
    %mul3A_189 = arith.constant 640 : i32
    %mul3A_190 = arith.muli %arg1, %mul3A_189 : i32
    "tpu.region"() ({
      %run_scoped3A = tpu.sem_alloc : memref<!tpu.dma_semaphore, #tpu.memory_space<semaphore_mem>>
      %dma_start3A_233 = arith.constant 0 : i32
      %dma_start3A_234 = tpu.memref_slice %arg11[%dma_start3A_233, %mul3A_190] : memref<16x10240xf32, #tpu.memory_space<vmem_shared>> -> memref<16x640xf32, #tpu.memory_space<vmem_shared>>
      %dma_start3A_235 = arith.constant 0 : i32
      %dma_start3A_236 = tpu.memref_slice %arg11[%dma_start3A_235, %mul3A_190] : memref<16x10240xf32, #tpu.memory_space<vmem_shared>> -> memref<16x640xf32, #tpu.memory_space<vmem_shared>>
      tpu.enqueue_dma source(%dma_start3A_236 : memref<16x640xf32, #tpu.memory_space<vmem_shared>>) target(%arg8 : memref<16x640xf32, #tpu.memory_space<vmem>>) target_semaphore(%run_scoped3A : memref<!tpu.dma_semaphore, #tpu.memory_space<semaphore_mem>>)
      %dma_wait3A_237 = arith.constant 0 : i32
      %dma_wait3A_238 = tpu.memref_slice %arg11[%dma_wait3A_237, %mul3A_190] : memref<16x10240xf32, #tpu.memory_space<vmem_shared>> -> memref<16x640xf32, #tpu.memory_space<vmem_shared>>
      %dma_wait3A_239 = arith.constant 0 : i32
      %dma_wait3A_240 = tpu.memref_slice %arg11[%dma_wait3A_239, %mul3A_190] : memref<16x10240xf32, #tpu.memory_space<vmem_shared>> -> memref<16x640xf32, #tpu.memory_space<vmem_shared>>
      tpu.wait_dma2 semaphore(%run_scoped3A : memref<!tpu.dma_semaphore, #tpu.memory_space<semaphore_mem>>) src(%dma_wait3A_240 : memref<16x640xf32, #tpu.memory_space<vmem_shared>>) dst(%arg8 : memref<16x640xf32, #tpu.memory_space<vmem>>)
      tpu.yield
    }) : () -> ()
    %parallel_loop3A_191 = arith.constant 0 : i32
    %parallel_loop3A_192 = arith.constant 40 : i32
    %parallel_loop3A_193 = arith.constant 1 : i32
    scf.for %parallel_loop3A_233 = %parallel_loop3A_191 to %parallel_loop3A_192 step %parallel_loop3A_193  : i32 {
      %parallel_loop3A_234 = arith.constant 16 : i32
      %parallel_loop3A_235 = arith.muli %parallel_loop3A_233, %parallel_loop3A_234 : i32
      %parallel_loop3A_236 = arith.constant 0 : i32
      %parallel_loop3A_237 = arith.index_cast %parallel_loop3A_236 : i32 to index
      %parallel_loop3A_238 = arith.index_cast %parallel_loop3A_235 : i32 to index
      %parallel_loop3A_239 = tpu.vector_load %arg8[%parallel_loop3A_237, %parallel_loop3A_238] {strides = array<i32>} : memref<16x640xf32, #tpu.memory_space<vmem>>, vector<16xf32>,
      %parallel_loop3A_240 = arith.constant 16 : i32
      %parallel_loop3A_241 = arith.muli %parallel_loop3A_233, %parallel_loop3A_240 : i32
      %parallel_loop3A_242 = arith.constant 1 : i32
      %parallel_loop3A_243 = arith.index_cast %parallel_loop3A_242 : i32 to index
      %parallel_loop3A_244 = arith.index_cast %parallel_loop3A_241 : i32 to index
      %parallel_loop3A_245 = tpu.vector_load %arg8[%parallel_loop3A_243, %parallel_loop3A_244] {strides = array<i32>} : memref<16x640xf32, #tpu.memory_space<vmem>>, vector<16xf32>,
      %parallel_loop3A_246 = arith.addf %parallel_loop3A_239, %parallel_loop3A_245 : vector<16xf32>
      %parallel_loop3A_247 = arith.constant 16 : i32
      %parallel_loop3A_248 = arith.muli %parallel_loop3A_233, %parallel_loop3A_247 : i32
      %parallel_loop3A_249 = arith.constant 2 : i32
      %parallel_loop3A_250 = arith.index_cast %parallel_loop3A_249 : i32 to index
      %parallel_loop3A_251 = arith.index_cast %parallel_loop3A_248 : i32 to index
      %parallel_loop3A_252 = tpu.vector_load %arg8[%parallel_loop3A_250, %parallel_loop3A_251] {strides = array<i32>} : memref<16x640xf32, #tpu.memory_space<vmem>>, vector<16xf32>,
      %parallel_loop3A_253 = arith.addf %parallel_loop3A_246, %parallel_loop3A_252 : vector<16xf32>
      %parallel_loop3A_254 = arith.constant 16 : i32
      %parallel_loop3A_255 = arith.muli %parallel_loop3A_233, %parallel_loop3A_254 : i32
      %parallel_loop3A_256 = arith.constant 3 : i32
      %parallel_loop3A_257 = arith.index_cast %parallel_loop3A_256 : i32 to index
      %parallel_loop3A_258 = arith.index_cast %parallel_loop3A_255 : i32 to index
      %parallel_loop3A_259 = tpu.vector_load %arg8[%parallel_loop3A_257, %parallel_loop3A_258] {strides = array<i32>} : memref<16x640xf32, #tpu.memory_space<vmem>>, vector<16xf32>,
      %parallel_loop3A_260 = arith.addf %parallel_loop3A_253, %parallel_loop3A_259 : vector<16xf32>
      %parallel_loop3A_261 = arith.constant 16 : i32
      %parallel_loop3A_262 = arith.muli %parallel_loop3A_233, %parallel_loop3A_261 : i32
      %parallel_loop3A_263 = arith.constant 4 : i32
      %parallel_loop3A_264 = arith.index_cast %parallel_loop3A_263 : i32 to index
      %parallel_loop3A_265 = arith.index_cast %parallel_loop3A_262 : i32 to index
      %parallel_loop3A_266 = tpu.vector_load %arg8[%parallel_loop3A_264, %parallel_loop3A_265] {strides = array<i32>} : memref<16x640xf32, #tpu.memory_space<vmem>>, vector<16xf32>,
      %parallel_loop3A_267 = arith.addf %parallel_loop3A_260, %parallel_loop3A_266 : vector<16xf32>
      %parallel_loop3A_268 = arith.constant 16 : i32
      %parallel_loop3A_269 = arith.muli %parallel_loop3A_233, %parallel_loop3A_268 : i32
      %parallel_loop3A_270 = arith.constant 5 : i32
      %parallel_loop3A_271 = arith.index_cast %parallel_loop3A_270 : i32 to index
      %parallel_loop3A_272 = arith.index_cast %parallel_loop3A_269 : i32 to index
      %parallel_loop3A_273 = tpu.vector_load %arg8[%parallel_loop3A_271, %parallel_loop3A_272] {strides = array<i32>} : memref<16x640xf32, #tpu.memory_space<vmem>>, vector<16xf32>,
      %parallel_loop3A_274 = arith.addf %parallel_loop3A_267, %parallel_loop3A_273 : vector<16xf32>
      %parallel_loop3A_275 = arith.constant 16 : i32
      %parallel_loop3A_276 = arith.muli %parallel_loop3A_233, %parallel_loop3A_275 : i32
      %parallel_loop3A_277 = arith.constant 6 : i32
      %parallel_loop3A_278 = arith.index_cast %parallel_loop3A_277 : i32 to index
      %parallel_loop3A_279 = arith.index_cast %parallel_loop3A_276 : i32 to index
      %parallel_loop3A_280 = tpu.vector_load %arg8[%parallel_loop3A_278, %parallel_loop3A_279] {strides = array<i32>} : memref<16x640xf32, #tpu.memory_space<vmem>>, vector<16xf32>,
      %parallel_loop3A_281 = arith.addf %parallel_loop3A_274, %parallel_loop3A_280 : vector<16xf32>
      %parallel_loop3A_282 = arith.constant 16 : i32
      %parallel_loop3A_283 = arith.muli %parallel_loop3A_233, %parallel_loop3A_282 : i32
      %parallel_loop3A_284 = arith.constant 7 : i32
      %parallel_loop3A_285 = arith.index_cast %parallel_loop3A_284 : i32 to index
      %parallel_loop3A_286 = arith.index_cast %parallel_loop3A_283 : i32 to index
      %parallel_loop3A_287 = tpu.vector_load %arg8[%parallel_loop3A_285, %parallel_loop3A_286] {strides = array<i32>} : memref<16x640xf32, #tpu.memory_space<vmem>>, vector<16xf32>,
      %parallel_loop3A_288 = arith.addf %parallel_loop3A_281, %parallel_loop3A_287 : vector<16xf32>
      %parallel_loop3A_289 = arith.constant 16 : i32
      %parallel_loop3A_290 = arith.muli %parallel_loop3A_233, %parallel_loop3A_289 : i32
      %parallel_loop3A_291 = arith.constant 8 : i32
      %parallel_loop3A_292 = arith.index_cast %parallel_loop3A_291 : i32 to index
      %parallel_loop3A_293 = arith.index_cast %parallel_loop3A_290 : i32 to index
      %parallel_loop3A_294 = tpu.vector_load %arg8[%parallel_loop3A_292, %parallel_loop3A_293] {strides = array<i32>} : memref<16x640xf32, #tpu.memory_space<vmem>>, vector<16xf32>,
      %parallel_loop3A_295 = arith.addf %parallel_loop3A_288, %parallel_loop3A_294 : vector<16xf32>
      %parallel_loop3A_296 = arith.constant 16 : i32
      %parallel_loop3A_297 = arith.muli %parallel_loop3A_233, %parallel_loop3A_296 : i32
      %parallel_loop3A_298 = arith.constant 9 : i32
      %parallel_loop3A_299 = arith.index_cast %parallel_loop3A_298 : i32 to index
      %parallel_loop3A_300 = arith.index_cast %parallel_loop3A_297 : i32 to index
      %parallel_loop3A_301 = tpu.vector_load %arg8[%parallel_loop3A_299, %parallel_loop3A_300] {strides = array<i32>} : memref<16x640xf32, #tpu.memory_space<vmem>>, vector<16xf32>,
      %parallel_loop3A_302 = arith.addf %parallel_loop3A_295, %parallel_loop3A_301 : vector<16xf32>
      %parallel_loop3A_303 = arith.constant 16 : i32
      %parallel_loop3A_304 = arith.muli %parallel_loop3A_233, %parallel_loop3A_303 : i32
      %parallel_loop3A_305 = arith.constant 10 : i32
      %parallel_loop3A_306 = arith.index_cast %parallel_loop3A_305 : i32 to index
      %parallel_loop3A_307 = arith.index_cast %parallel_loop3A_304 : i32 to index
      %parallel_loop3A_308 = tpu.vector_load %arg8[%parallel_loop3A_306, %parallel_loop3A_307] {strides = array<i32>} : memref<16x640xf32, #tpu.memory_space<vmem>>, vector<16xf32>,
      %parallel_loop3A_309 = arith.addf %parallel_loop3A_302, %parallel_loop3A_308 : vector<16xf32>
      %parallel_loop3A_310 = arith.constant 16 : i32
      %parallel_loop3A_311 = arith.muli %parallel_loop3A_233, %parallel_loop3A_310 : i32
      %parallel_loop3A_312 = arith.constant 11 : i32
      %parallel_loop3A_313 = arith.index_cast %parallel_loop3A_312 : i32 to index
      %parallel_loop3A_314 = arith.index_cast %parallel_loop3A_311 : i32 to index
      %parallel_loop3A_315 = tpu.vector_load %arg8[%parallel_loop3A_313, %parallel_loop3A_314] {strides = array<i32>} : memref<16x640xf32, #tpu.memory_space<vmem>>, vector<16xf32>,
      %parallel_loop3A_316 = arith.addf %parallel_loop3A_309, %parallel_loop3A_315 : vector<16xf32>
      %parallel_loop3A_317 = arith.constant 16 : i32
      %parallel_loop3A_318 = arith.muli %parallel_loop3A_233, %parallel_loop3A_317 : i32
      %parallel_loop3A_319 = arith.constant 12 : i32
      %parallel_loop3A_320 = arith.index_cast %parallel_loop3A_319 : i32 to index
      %parallel_loop3A_321 = arith.index_cast %parallel_loop3A_318 : i32 to index
      %parallel_loop3A_322 = tpu.vector_load %arg8[%parallel_loop3A_320, %parallel_loop3A_321] {strides = array<i32>} : memref<16x640xf32, #tpu.memory_space<vmem>>, vector<16xf32>,
      %parallel_loop3A_323 = arith.addf %parallel_loop3A_316, %parallel_loop3A_322 : vector<16xf32>
      %parallel_loop3A_324 = arith.constant 16 : i32
      %parallel_loop3A_325 = arith.muli %parallel_loop3A_233, %parallel_loop3A_324 : i32
      %parallel_loop3A_326 = arith.constant 13 : i32
      %parallel_loop3A_327 = arith.index_cast %parallel_loop3A_326 : i32 to index
      %parallel_loop3A_328 = arith.index_cast %parallel_loop3A_325 : i32 to index
      %parallel_loop3A_329 = tpu.vector_load %arg8[%parallel_loop3A_327, %parallel_loop3A_328] {strides = array<i32>} : memref<16x640xf32, #tpu.memory_space<vmem>>, vector<16xf32>,
      %parallel_loop3A_330 = arith.addf %parallel_loop3A_323, %parallel_loop3A_329 : vector<16xf32>
      %parallel_loop3A_331 = arith.constant 16 : i32
      %parallel_loop3A_332 = arith.muli %parallel_loop3A_233, %parallel_loop3A_331 : i32
      %parallel_loop3A_333 = arith.constant 14 : i32
      %parallel_loop3A_334 = arith.index_cast %parallel_loop3A_333 : i32 to index
      %parallel_loop3A_335 = arith.index_cast %parallel_loop3A_332 : i32 to index
      %parallel_loop3A_336 = tpu.vector_load %arg8[%parallel_loop3A_334, %parallel_loop3A_335] {strides = array<i32>} : memref<16x640xf32, #tpu.memory_space<vmem>>, vector<16xf32>,
      %parallel_loop3A_337 = arith.addf %parallel_loop3A_330, %parallel_loop3A_336 : vector<16xf32>
      %parallel_loop3A_338 = arith.constant 16 : i32
      %parallel_loop3A_339 = arith.muli %parallel_loop3A_233, %parallel_loop3A_338 : i32
      %parallel_loop3A_340 = arith.constant 15 : i32
      %parallel_loop3A_341 = arith.index_cast %parallel_loop3A_340 : i32 to index
      %parallel_loop3A_342 = arith.index_cast %parallel_loop3A_339 : i32 to index
      %parallel_loop3A_343 = tpu.vector_load %arg8[%parallel_loop3A_341, %parallel_loop3A_342] {strides = array<i32>} : memref<16x640xf32, #tpu.memory_space<vmem>>, vector<16xf32>,
      %parallel_loop3A_344 = arith.addf %parallel_loop3A_337, %parallel_loop3A_343 : vector<16xf32>
      %parallel_loop3A_345 = arith.constant 16 : i32
      %parallel_loop3A_346 = arith.muli %parallel_loop3A_233, %parallel_loop3A_345 : i32
      %parallel_loop3A_347 = arith.index_cast %parallel_loop3A_346 : i32 to index
      %parallel_loop3A_348 = tpu.vector_load %arg9[%parallel_loop3A_347] {strides = array<i32>} : memref<640xf32, #tpu.memory_space<vmem>>, vector<16xf32>,
      tpu.vector_store %arg9[%parallel_loop3A_347], %parallel_loop3A_344 {strides = array<i32>} : memref<640xf32, #tpu.memory_space<vmem>>, vector<16xf32>,
    } {sc.loop_unroll_factor = 2 : i64, sc.parallel_access}
    "tpu.region"() ({
      %run_scoped3A = tpu.sem_alloc : memref<!tpu.dma_semaphore, #tpu.memory_space<semaphore_mem>>
      %dma_start3A_233 = tpu.memref_slice %arg12[%mul3A_190] : memref<10240xf32, #tpu.memory_space<vmem_shared>> -> memref<640xf32, #tpu.memory_space<vmem_shared>>
      %dma_start3A_234 = tpu.memref_slice %arg12[%mul3A_190] : memref<10240xf32, #tpu.memory_space<vmem_shared>> -> memref<640xf32, #tpu.memory_space<vmem_shared>>
      tpu.enqueue_dma source(%arg9 : memref<640xf32, #tpu.memory_space<vmem>>) target(%dma_start3A_234 : memref<640xf32, #tpu.memory_space<vmem_shared>>) target_semaphore(%run_scoped3A : memref<!tpu.dma_semaphore, #tpu.memory_space<semaphore_mem>>)
      %dma_wait3A_235 = tpu.memref_slice %arg12[%mul3A_190] : memref<10240xf32, #tpu.memory_space<vmem_shared>> -> memref<640xf32, #tpu.memory_space<vmem_shared>>
      %dma_wait3A_236 = tpu.memref_slice %arg12[%mul3A_190] : memref<10240xf32, #tpu.memory_space<vmem_shared>> -> memref<640xf32, #tpu.memory_space<vmem_shared>>
      tpu.wait_dma2 semaphore(%run_scoped3A : memref<!tpu.dma_semaphore, #tpu.memory_space<semaphore_mem>>) src(%arg9 : memref<640xf32, #tpu.memory_space<vmem>>) dst(%dma_wait3A_236 : memref<640xf32, #tpu.memory_space<vmem_shared>>)
      tpu.yield
    }) : () -> ()
    %barrier3A_194 = arith.constant 0 : index
    tpu.barrier barrier_id(%barrier3A_194)
    "tpu.region"() ({
      %run_scoped3A = tpu.sem_alloc : memref<!tpu.dma_semaphore, #tpu.memory_space<semaphore_mem>>
      tpu.enqueue_dma source(%arg12 : memref<10240xf32, #tpu.memory_space<vmem_shared>>) target(%arg5 : memref<10240xf32, #tpu.memory_space<vmem>>) target_semaphore(%run_scoped3A : memref<!tpu.dma_semaphore, #tpu.memory_space<semaphore_mem>>)
      tpu.wait_dma2 semaphore(%run_scoped3A : memref<!tpu.dma_semaphore, #tpu.memory_space<semaphore_mem>>) src(%arg12 : memref<10240xf32, #tpu.memory_space<vmem_shared>>) dst(%arg5 : memref<10240xf32, #tpu.memory_space<vmem>>)
      tpu.yield
    }) : () -> ()
    %dma_wait3A_195 = arith.constant 0 : i32
    %dma_wait3A_196 = tpu.memref_slice %arg3[%dma_wait3A_195, %multiple_of3A] : memref<2x320000xi32, #tpu.memory_space<hbm>> -> memref<2x10112xi32, #tpu.memory_space<hbm>>
    %dma_wait3A_197 = arith.constant 0 : i32
    %dma_wait3A_198 = tpu.memref_slice %arg3[%dma_wait3A_197, %multiple_of3A] : memref<2x320000xi32, #tpu.memory_space<hbm>> -> memref<2x10112xi32, #tpu.memory_space<hbm>>
    tpu.wait_dma2 semaphore(%arg13 : memref<!tpu.dma_semaphore, #tpu.memory_space<semaphore_mem>>) src(%dma_wait3A_198 : memref<2x10112xi32, #tpu.memory_space<hbm>>) dst(%arg7 : memref<2x10112xi32, #tpu.memory_space<vmem>>)
    %parallel_loop3A_199 = arith.constant 0 : i32
    %parallel_loop3A_200 = arith.constant 320 : i32
    %parallel_loop3A_201 = arith.constant 1 : i32
    scf.for %parallel_loop3A_233 = %parallel_loop3A_199 to %parallel_loop3A_200 step %parallel_loop3A_201  : i32 {
      %parallel_loop3A_234 = arith.constant 0 : i32
      %parallel_loop3A_235 = arith.addi %parallel_loop3A_234, %parallel_loop3A_233 : i32
      %parallel_loop3A_236 = arith.constant 16 : i32
      %parallel_loop3A_237 = arith.muli %parallel_loop3A_235, %parallel_loop3A_236 : i32
      %parallel_loop3A_238 = arith.addi %sub3A_25, %parallel_loop3A_237 : i32
      %parallel_loop3A_239 = arith.constant 1 : i32
      %parallel_loop3A_240 = arith.index_cast %parallel_loop3A_239 : i32 to index
      %parallel_loop3A_241 = arith.index_cast %parallel_loop3A_238 : i32 to index
      %parallel_loop3A_242 = tpu.vector_load %arg7[%parallel_loop3A_240, %parallel_loop3A_241] {strides = array<i32>} : memref<2x10112xi32, #tpu.memory_space<vmem>>, vector<16xi32>,
      %parallel_loop3A_243 = tpu.vector_load_idx %arg5[%parallel_loop3A_242] : memref<10240xf32, #tpu.memory_space<vmem>>[vector<16xi32>], vector<16xf32>,
      %parallel_loop3A_244 = arith.constant 0 : i32
      %parallel_loop3A_245 = arith.addi %parallel_loop3A_244, %parallel_loop3A_233 : i32
      %parallel_loop3A_246 = arith.constant 16 : i32
      %parallel_loop3A_247 = arith.muli %parallel_loop3A_245, %parallel_loop3A_246 : i32
      %parallel_loop3A_248 = arith.index_cast %parallel_loop3A_247 : i32 to index
      %parallel_loop3A_249 = tpu.vector_load %arg10[%parallel_loop3A_248] {strides = array<i32>} : memref<10000xf32, #tpu.memory_space<vmem>>, vector<16xf32>,
      tpu.vector_store %arg10[%parallel_loop3A_248], %parallel_loop3A_243 {strides = array<i32>} : memref<10000xf32, #tpu.memory_space<vmem>>, vector<16xf32>,
    } {sc.loop_unroll_factor = 4 : i64, sc.parallel_access}
    %add3A_202 = arith.constant 0 : i32
    %add3A_203 = arith.addi %mul3A_2, %add3A_202 : i32
    %dma_start3A_204 = arith.constant 0 : i32
    %dma_start3A_205 = tpu.memref_slice %arg10[%dma_start3A_204] : memref<10000xf32, #tpu.memory_space<vmem>> -> memref<5120xf32, #tpu.memory_space<vmem>>
    %dma_start3A_206 = tpu.memref_slice %arg4[%add3A_203] : memref<320000xf32, #tpu.memory_space<hbm>> -> memref<5120xf32, #tpu.memory_space<hbm>>
    %dma_start3A_207 = tpu.memref_slice %arg4[%add3A_203] : memref<320000xf32, #tpu.memory_space<hbm>> -> memref<5120xf32, #tpu.memory_space<hbm>>
    %dma_start3A_208 = arith.constant 0 : i32
    %dma_start3A_209 = tpu.memref_slice %arg10[%dma_start3A_208] : memref<10000xf32, #tpu.memory_space<vmem>> -> memref<5120xf32, #tpu.memory_space<vmem>>
    tpu.enqueue_dma source(%dma_start3A_209 : memref<5120xf32, #tpu.memory_space<vmem>>) target(%dma_start3A_207 : memref<5120xf32, #tpu.memory_space<hbm>>) target_semaphore(%arg15 : memref<!tpu.dma_semaphore, #tpu.memory_space<semaphore_mem>>)
    %parallel_loop3A_210 = arith.constant 0 : i32
    %parallel_loop3A_211 = arith.constant 305 : i32
    %parallel_loop3A_212 = arith.constant 1 : i32
    scf.for %parallel_loop3A_233 = %parallel_loop3A_210 to %parallel_loop3A_211 step %parallel_loop3A_212  : i32 {
      %parallel_loop3A_234 = arith.constant 320 : i32
      %parallel_loop3A_235 = arith.addi %parallel_loop3A_234, %parallel_loop3A_233 : i32
      %parallel_loop3A_236 = arith.constant 16 : i32
      %parallel_loop3A_237 = arith.muli %parallel_loop3A_235, %parallel_loop3A_236 : i32
      %parallel_loop3A_238 = arith.addi %sub3A_25, %parallel_loop3A_237 : i32
      %parallel_loop3A_239 = arith.constant 1 : i32
      %parallel_loop3A_240 = arith.index_cast %parallel_loop3A_239 : i32 to index
      %parallel_loop3A_241 = arith.index_cast %parallel_loop3A_238 : i32 to index
      %parallel_loop3A_242 = tpu.vector_load %arg7[%parallel_loop3A_240, %parallel_loop3A_241] {strides = array<i32>} : memref<2x10112xi32, #tpu.memory_space<vmem>>, vector<16xi32>,
      %parallel_loop3A_243 = tpu.vector_load_idx %arg5[%parallel_loop3A_242] : memref<10240xf32, #tpu.memory_space<vmem>>[vector<16xi32>], vector<16xf32>,
      %parallel_loop3A_244 = arith.constant 320 : i32
      %parallel_loop3A_245 = arith.addi %parallel_loop3A_244, %parallel_loop3A_233 : i32
      %parallel_loop3A_246 = arith.constant 16 : i32
      %parallel_loop3A_247 = arith.muli %parallel_loop3A_245, %parallel_loop3A_246 : i32
      %parallel_loop3A_248 = arith.index_cast %parallel_loop3A_247 : i32 to index
      %parallel_loop3A_249 = tpu.vector_load %arg10[%parallel_loop3A_248] {strides = array<i32>} : memref<10000xf32, #tpu.memory_space<vmem>>, vector<16xf32>,
      tpu.vector_store %arg10[%parallel_loop3A_248], %parallel_loop3A_243 {strides = array<i32>} : memref<10000xf32, #tpu.memory_space<vmem>>, vector<16xf32>,
    } {sc.loop_unroll_factor = 5 : i64, sc.parallel_access}
    %add3A_213 = arith.constant 5120 : i32
    %add3A_214 = arith.addi %mul3A_2, %add3A_213 : i32
    %dma_start3A_215 = arith.constant 5120 : i32
    %dma_start3A_216 = tpu.memref_slice %arg10[%dma_start3A_215] : memref<10000xf32, #tpu.memory_space<vmem>> -> memref<4880xf32, #tpu.memory_space<vmem>>
    %dma_start3A_217 = tpu.memref_slice %arg4[%add3A_214] : memref<320000xf32, #tpu.memory_space<hbm>> -> memref<4880xf32, #tpu.memory_space<hbm>>
    %dma_start3A_218 = tpu.memref_slice %arg4[%add3A_214] : memref<320000xf32, #tpu.memory_space<hbm>> -> memref<4880xf32, #tpu.memory_space<hbm>>
    %dma_start3A_219 = arith.constant 5120 : i32
    %dma_start3A_220 = tpu.memref_slice %arg10[%dma_start3A_219] : memref<10000xf32, #tpu.memory_space<vmem>> -> memref<4880xf32, #tpu.memory_space<vmem>>
    tpu.enqueue_dma source(%dma_start3A_220 : memref<4880xf32, #tpu.memory_space<vmem>>) target(%dma_start3A_218 : memref<4880xf32, #tpu.memory_space<hbm>>) target_semaphore(%arg15 : memref<!tpu.dma_semaphore, #tpu.memory_space<semaphore_mem>>)
    %dma_wait3A_221 = arith.constant 0 : i32
    %dma_wait3A_222 = tpu.memref_slice %arg10[%dma_wait3A_221] : memref<10000xf32, #tpu.memory_space<vmem>> -> memref<5120xf32, #tpu.memory_space<vmem>>
    %dma_wait3A_223 = tpu.memref_slice %arg4[%add3A_203] : memref<320000xf32, #tpu.memory_space<hbm>> -> memref<5120xf32, #tpu.memory_space<hbm>>
    %dma_wait3A_224 = tpu.memref_slice %arg4[%add3A_203] : memref<320000xf32, #tpu.memory_space<hbm>> -> memref<5120xf32, #tpu.memory_space<hbm>>
    %dma_wait3A_225 = arith.constant 0 : i32
    %dma_wait3A_226 = tpu.memref_slice %arg10[%dma_wait3A_225] : memref<10000xf32, #tpu.memory_space<vmem>> -> memref<5120xf32, #tpu.memory_space<vmem>>
    tpu.wait_dma2 semaphore(%arg15 : memref<!tpu.dma_semaphore, #tpu.memory_space<semaphore_mem>>) src(%dma_wait3A_226 : memref<5120xf32, #tpu.memory_space<vmem>>) dst(%dma_wait3A_224 : memref<5120xf32, #tpu.memory_space<hbm>>)
    %dma_wait3A_227 = arith.constant 5120 : i32
    %dma_wait3A_228 = tpu.memref_slice %arg10[%dma_wait3A_227] : memref<10000xf32, #tpu.memory_space<vmem>> -> memref<4880xf32, #tpu.memory_space<vmem>>
    %dma_wait3A_229 = tpu.memref_slice %arg4[%add3A_214] : memref<320000xf32, #tpu.memory_space<hbm>> -> memref<4880xf32, #tpu.memory_space<hbm>>
    %dma_wait3A_230 = tpu.memref_slice %arg4[%add3A_214] : memref<320000xf32, #tpu.memory_space<hbm>> -> memref<4880xf32, #tpu.memory_space<hbm>>
    %dma_wait3A_231 = arith.constant 5120 : i32
    %dma_wait3A_232 = tpu.memref_slice %arg10[%dma_wait3A_231] : memref<10000xf32, #tpu.memory_space<vmem>> -> memref<4880xf32, #tpu.memory_space<vmem>>
    tpu.wait_dma2 semaphore(%arg15 : memref<!tpu.dma_semaphore, #tpu.memory_space<semaphore_mem>>) src(%dma_wait3A_232 : memref<4880xf32, #tpu.memory_space<vmem>>) dst(%dma_wait3A_230 : memref<4880xf32, #tpu.memory_space<hbm>>)
    return
  }
}

</mosaic_0001>

<sc_bundles>
// kernel: _degree_gather.3.cloned.1.call-start
scs
__scs_entry_jumppad:
0x0: {  	(pc) =	sbr.rel $0x88, $3  }
0x1: {  	(tag) =	ssettag $0x0;
	lr =	simm.s32 $0x1  }
0x2: {  	[smem:$0x3F9F] =	sst lr;
	_ =	strace $0xD0000000  }
0x3: {  	_ = 	snop  }
0x4: {  	_ = 	snop  }
0x5: {  	_ = 	snop  }
0x6: {  	_ = 	snop  }
0x7: {  	_ = 	snop  }
__scs_overlays_trampoline_lowered:
0x8: {  	[smem:$0x3FAE] =	sst s0  }
0x9: {  	[smem:$0x3FAF] =	sst s1  }
0xa: {  	[smem:$0x3FB0] =	sst s2  }
0xb: {  	[smem:$0x3FB1] =	sst s3  }
0xc: {  	[smem:$0x3FB2] =	sst s4  }
0xd: {  	[smem:$0x3FB3] =	sst s5  }
0xe: {  	[smem:$0x3FB4] =	sst s6  }
0xf: {  	[smem:$0x3FB5] =	sst s7  }
0x10: {  	[smem:$0x3FB6] =	sst s8  }
0x11: {  	[smem:$0x3FB7] =	sst s9;
	s0 =	simm.s32 @!p0 $0x0  }
0x12: {  	s1 =	sld [smem:$0x3F9D];
	s0 =	simm.s32 @p0 $0x1  }
0x13: {  	[smem:$0x3FB8] =	sst s0;
	s0 =	simm.s32 @!p1 $0x0  }
0x14: {  	s2 =	sld [smem:$0x3F9C];
	s0 =	simm.s32 @p1 $0x1  }
0x15: {  	[smem:$0x3FB9] =	sst s0;
	s0 =	simm.s32 @!p2 $0x0  }
0x16: {  	s3 =	sld [smem:$0x3FDB];
	s0 =	simm.s32 @p2 $0x1  }
0x17: {  	s4 =	simm.s32 $0x1BF5;
	[smem:$0x3FBB] =	sst s0  }
0x18: {  	s0 =	sld [smem:$0x3F9E];
	_ =	swait.ge [sflag:s4], $0x0  }
0x19: {  	s7 =	sld [smem:$0x3F9F]  }
0x1a: {  	s8 =	sadd.s32 $0xFFFFE003, lr  }
0x1b: {  	s9 =	sadd.s32 $0xFFFFFEF7, lr;
	s5 =	simm.s32 $0xFFFFFFFF;
	p2 =	slt.u32 s8, $0xFFFFF086  }
0x1c: {  	p1 =	slt.u32 s9, $0xF7A;
	s5 =	simm.s32 @!p2 $0x0  }
0x1d: {  	s5 =	simm.s32 @p1 $0x1;
	p0 =	seq.s32 s7, s2  }
0x1e: {  	s7 =	smul.u32 @!p0 $0xF7A, s2;
	p2 =	seq.s32 @!p0 s5, $0x0  }
0x1f: {  	s9 =	smul.u32 $0xF7A, s1;
	s8 =	simm.s32 @!p0 $0x1BF5;
	p2 =	por !p2, p0  }
0x20: {  	[sflag:s8] =	ssyncset.s32 @!p0 $0xFFFFF086;
	s6 =	sadd.s32 @!p0 s3, s7;
	s7 =	simm.s32 @!p0 $0x108  }
0x21: {  	s3 =	sadd.s32 s3, s9;
	s6 =	sadd.s32 @!p0 $0x88, s6;
	s7 =	simm.s32 @p2 $0x1082  }
0x22: {  	[simem:s7], [sflag:s8] =	dma.local @!p0 [hbm:s6], $0xF7A  }
0x23: {  	s9 =	sor.u32 $0xD0000000, s2;
	s6 =	simm.s32 $0x108;
	_ =	swait.ge @!p0 [sflag:s8], $0x0  }
0x24: {  	s3 =	sadd.s32 $0x88, s3;
	s6 =	simm.s32 @!p1 $0x1082;
	[sflag:s4] =	ssyncset.s32 $0xFFFFF086  }
0x25: {  	[simem:s6], [sflag:s4] =	dma.local [hbm:s3], $0xF7A  }
0x26: {  	[smem:$0x3F9F] =	sst s1;
	(tag) =	ssettag s2;
	_ =	strace s9  }
0x27: {  	s1 =	sld [smem:$0x3FAF]  }
0x28: {  	s2 =	sld [smem:$0x3FB0]  }
0x29: {  	s4 =	sld [smem:$0x3FB2]  }
0x2a: {  	p0 =	seq.s32 s5, $0x0;
	s5 =	sld [smem:$0x3FB3]  }
0x2b: {  	s6 =	sld [smem:$0x3FB4]  }
0x2c: {  	s7 =	sld [smem:$0x3FB5]  }
0x2d: {  	s3 =	simm.s32 $0x108;
	s8 =	sld [smem:$0x3FB6]  }
0x2e: {  	s3 =	simm.s32 @!p0 $0x1082;
	s9 =	sld [smem:$0x3FB7]  }
0x2f: {  	lr =	sadd.s32 s0, s3;
	s0 =	sld [smem:$0x3FAE]  }
0x30: {  	s3 =	sld [smem:$0x3FB1]  }
0x31: {  	[smem:$0x3FBA] =	sst s10  }
0x32: {  	s10 =	sld [smem:$0x3FB8];
	_ =	sdelay $0x3  }
0x33: {  	p0 =	seq.s32 s10, $0x1;
	s10 =	sld [smem:$0x3FBA];
	_ =	sdelay $0x3  }
0x34: {  	[smem:$0x3FBA] =	sst s10  }
0x35: {  	s10 =	sld [smem:$0x3FB9];
	_ =	sdelay $0x3  }
0x36: {  	p1 =	seq.s32 s10, $0x1;
	s10 =	sld [smem:$0x3FBA];
	_ =	sdelay $0x3  }
0x37: {  	[smem:$0x3FBA] =	sst s10  }
0x38: {  	s10 =	sld [smem:$0x3FBB]  }
0x39: {  	_ = 	snop;
	(pc) =	sbr.ind lr, $3  }
0x3a: {  	_ = 	snop  }
0x3b: {  	_ = 	snop  }
0x3c: {  	p2 =	seq.s32 s10, $0x1;
	s10 =	sld [smem:$0x3FBA]  }
0x3d: {  	_ =	shalt  }
0x3e: {  	_ =	shalt  }
0x3f: {  	_ =	shalt  }
0x40: {  	_ =	shalt  }
0x41: {  	_ =	shalt  }
0x42: {  	_ =	shalt  }
0x43: {  	_ =	shalt  }
0x44: {  	_ =	shalt  }
0x45: {  	_ =	shalt  }
0x46: {  	_ =	shalt  }
0x47: {  	_ =	shalt  }
0x48: {  	_ =	shalt  }
0x49: {  	_ =	shalt  }
0x4a: {  	_ =	shalt  }
0x4b: {  	_ =	shalt  }
0x4c: {  	_ =	shalt  }
0x4d: {  	_ =	shalt  }
0x4e: {  	_ =	shalt  }
0x4f: {  	_ =	shalt  }
0x50: {  	_ =	shalt  }
0x51: {  	_ =	shalt  }
0x52: {  	_ =	shalt  }
0x53: {  	_ =	shalt  }
0x54: {  	_ =	shalt  }
0x55: {  	_ =	shalt  }
0x56: {  	_ =	shalt  }
0x57: {  	_ =	shalt  }
0x58: {  	_ =	shalt  }
0x59: {  	_ =	shalt  }
0x5a: {  	_ =	shalt  }
0x5b: {  	_ =	shalt  }
0x5c: {  	_ =	shalt  }
0x5d: {  	_ =	shalt  }
0x5e: {  	_ =	shalt  }
0x5f: {  	_ =	shalt  }
0x60: {  	_ =	shalt  }
0x61: {  	_ =	shalt  }
0x62: {  	_ =	shalt  }
0x63: {  	_ =	shalt  }
0x64: {  	_ =	shalt  }
0x65: {  	_ =	shalt  }
0x66: {  	_ =	shalt  }
0x67: {  	_ =	shalt  }
0x68: {  	_ =	shalt  }
0x69: {  	_ =	shalt  }
0x6a: {  	_ =	shalt  }
0x6b: {  	_ =	shalt  }
0x6c: {  	_ =	shalt  }
0x6d: {  	_ =	shalt  }
0x6e: {  	_ =	shalt  }
0x6f: {  	_ =	shalt  }
0x70: {  	_ =	shalt  }
0x71: {  	_ =	shalt  }
0x72: {  	_ =	shalt  }
0x73: {  	_ =	shalt  }
0x74: {  	_ =	shalt  }
0x75: {  	_ =	shalt  }
0x76: {  	_ =	shalt  }
0x77: {  	_ =	shalt  }
0x78: {  	_ =	shalt  }
0x79: {  	_ =	shalt  }
0x7a: {  	_ =	shalt  }
0x7b: {  	_ =	shalt  }
0x7c: {  	_ =	shalt  }
0x7d: {  	_ =	shalt  }
0x7e: {  	_ =	shalt  }
0x7f: {  	_ =	shalt  }
0x80: {  	_ =	shalt  }
0x81: {  	_ =	shalt  }
0x82: {  	_ =	shalt  }
0x83: {  	_ =	shalt  }
0x84: {  	_ =	shalt  }
0x85: {  	_ =	shalt  }
0x86: {  	_ =	shalt  }
0x87: {  	_ =	shalt  }
.Lfunc_end0:
.L_simem_size_0:
called_computation_lowered:
.L_overlay_start_0:
0x88: {  	s2 =	sld [smem:$0x3FD9]  }
0x89: {  	s3 =	sld [smem:$0x3FFE];
	_ =	sdelay $0x1  }
0x8a: {  	s1 =	srdreg.scid  }
0x8b: {  	s0 =	sand.u32 $0x1, s1  }
0x8c: {  	s18 =	sshll.u32 s0, $0xA;
	s2 =	sadd.s32 s3, s2  }
0x8d: {  	s2 =	sadd.s32 s2, s18  }
0x8e: {  	[smem:$0x3FC6] =	sst s2  }
0x8f: {  	_ = 	snop  }
0x90: {  	s2 =	sld [smem:$0x3FC9]  }
0x91: {  	s19 =	sld [smem:$0x3FC8]  }
0x92: {  	s4 =	sld [smem:$0x3FD0];
	(tm) =	ssettm $0x1  }
0x93: {  	s5 =	sld [smem:$0x3FFB];
	_ =	sdelay $0x3  }
0x94: {  	_ =	strace s5  }
0x95: {  	s5 =	sld [smem:$0x3FFC];
	_ =	sdelay $0x3  }
0x96: {  	_ =	strace s5  }
0x97: {  	s5 =	sld [smem:$0x3FFD];
	_ =	sdelay $0x3  }
0x98: {  	_ =	strace s5  }
0x99: {  	_ =	strace $0x8FFFFFFF  }
0x9a: {  	s20 =	sld [smem:$0x3FDB];
	_ =	sdelay $0x1  }
0x9b: {  	s6 =	simm.s32 $_scs_section_size  }
0x9c: {  	s7 =	simm.s32 $_size__tile_overlayer_lowered;
	s8 =	simm.s32 $_tile_overlayer_lowered  }
0x9d: {  	s23 =	simm.s32 $0x1BFF;
	s22 =	sshll.u32 s8, $0x1;
	s5 =	sadd.s32 s6, s20  }
0x9e: {  	s9 =	simm.s32 $0x0;
	s21 =	sshll.u32 s7, $0x1;
	s7 =	sadd.s32 s22, s5  }
0x9f: {  	[timem:s9], [sflag:s23] =	dma.local [hbm:s7], s21  }
0xa0: {  	_ =	swait.ge [sflag:s23], s21  }
0xa1: {  	s6 =	ssub.s32 $0x0, s21;
	[sflag:s23] =	ssyncset.done $0x0  }
0xa2: {  	[sflag:s23] =	ssyncadd.s32 s6;
	_ =	sdelay $0x1  }
0xa3: {  	s24 =	simm.s32 $0x1B8B  }
0xa4: {  	_ =	swait.ge [sflag:s24], $0x1  }
0xa5: {  	[sflag:s24] =	ssyncset.done $0x0  }
0xa6: {  	s25 =	simm.s32 $0x1B8E;
	[sflag:s24] =	ssyncadd.s32 $0xFFFFFFFF  }
0xa7: {  	s26 =	simm.s32 $execute0_lowered;
	[smem:$0x3FD2] =	sst s25  }
0xa8: {  	s6 =	sshll.u32 s26, $0x1;
	_ =	strace $0x80000046;
	[dreg:$0x1] =	wrdreg $0xFFFFFFFF  }
0xa9: {  	s28 =	simm.s32 $_size_execute0_lowered;
	s5 =	sadd.s32 s5, s6;
	[dreg:$0x0] =	wrdreg $0x0  }
0xaa: {  	s6 =	sshll.u32 s28, $0x1;
	[dreg:$0x2] =	wrdreg s5  }
0xab: {  	[dreg:$0x3] =	wrdreg s6  }
0xac: {  	[dreg:$0x4] =	wrdreg $0xC0  }
0xad: {  	_ =	task [dreg:s9], $0x5FFFF  }
0xae: {  	[dreg:$0x1] =	wrdreg $0xFFFFFFFF  }
0xaf: {  	[dreg:$0x0] =	wrdreg $0x60  }
0xb0: {  	[dreg:$0x2] =	wrdreg s2  }
0xb1: {  	[dreg:$0x3] =	wrdreg s19  }
0xb2: {  	[dreg:$0x4] =	wrdreg s4  }
0xb3: {  	[dreg:$0x5] =	wrdreg $0x166000  }
0xb4: {  	[dreg:$0x6] =	wrdreg $0x18E000  }
0xb5: {  	[dreg:$0x7] =	wrdreg $0x9  }
0xb6: {  	_ =	task.clear_ibuf [dreg:s9], $0x8FFFF;
	_ =	strace $0x90000046  }
0xb7: {  	s29 =	simm.s32 $0x9;
	_ =	strace $0x80000048  }
0xb8: {  	_ =	swait.ge [sflag:s29], $0x1  }
0xb9: {  	[sflag:s29] =	ssyncadd.s32 $0xFFFFFFFF  }
0xba: {  	_ =	strace $0x90000048  }
0xbb: {  	_ =	sfence  }
0xbc: {  	s30 =	sld [smem:$0x0];
	_ =	sdelay $0x2  }
0xbd: {  	s31 =	sshll.u32 s1, $0xD;
	s1 =	sshrl.u32 s1, $0x2  }
0xbe: {  	s3 =	sand.u32 $0x4000, s31;
	s1 =	sadd.s32 s1, s30  }
0xbf: {  	s0 =	sor.u32 s3, s0;
	s1 =	sshll.u32 s1, $0x11  }
0xc0: {  	s0 =	sor.u32 s1, s0  }
0xc1: {  	s0 =	sadd.s32 $0x8F2B, s0  }
0xc2: {  	[sflag:s0] =	ssyncadd.remote.s32 $0x1  }
0xc3: {  	_ =	sfence.sel $0xFFFF  }
0xc4: {  	[dreg:$0x0] =	wrdreg $0xFFFFFFFF;
	(pc) =	sbr.abs _section_cstart, $3  }
0xc5: {  	[dreg:$0x1] =	wrdreg $0xFFFFFFFF  }
0xc6: {  	_ =	task.clear_ibuf [dreg:s9], $0x2FFFF;
	_ =	strace $0x9FFFFFFF  }
0xc7: {  	(tm) =	ssettm $0x7FFFFFFF  }
tec
execute0_lowered:
.L_overlay_start_1:
0x0: {  	(tag) =	ssettag $0x1  }
0x1: {  	s0 =	rddreg [dreg:$0x0]  }
0x2: {  	s1 =	rddreg [dreg:$0x1]  }
0x3: {  	s2 =	rddreg [dreg:$0x2]  }
0x4: {  	s5 =	rddreg [dreg:$0x3]  }
0x5: {  	s19 =	rddreg [dreg:$0x4];
	s3 =	srdreg.scid  }
0x6: {  	s17 =	stileid.u32;
	s30 =	simm.s32 $0x4;
	s28 =	simm.s32 $0x0  }
0x7: {  	s6 =	sand.u32 $0x1, s3;
	s4 =	sshll.u32 s17, $0x1;
	s7 =	smul.u32 $0x4E20, s17  }
0x8: {  	s3 =	simm.s32 $0x0;
	s13 =	sshrl.u32 s17, $0x3;
	s26 =	sshll.u32 s17, $0x7  }
0x9: {  	s4 =	sor.u32 s6, s4;
	[smem:$0x7FF] =	sst s3;
	s25 =	smul.u32 $0x50000, s13  }
0xa: {  	s9 =	ssub.s32 $0x2, s6;
	s29 =	sand.u32 $0x380, s26;
	s8 =	smul.u32 $0x2710, s4  }
0xb: {  	s16 =	sand.u32 $0x7FF80, s7;
	_ =	strace $0x80000047;
	s18 =	sshrl.u32 s9, $0x1  }
0xc: {  	s10 =	smin.u32 s16, $0x49380;
	s15 =	ssub.s32 s9, s18;
	s16 =	smul.u32 $0x5000, s17  }
0xd: {  	s18 =	smul.u32 $0x4E20, s6;
	s11 =	sand.u32 $0x7FF80, s8;
	s12 =	sshrl.u32 s10, $0x2  }
0xe: {  	s21 =	ssub.s32 s7, s10;
	s11 =	smin.u32 s11, $0x4BA80;
	s20 =	sadd.s32 s0, s12  }
0xf: {  	s9 =	sadd.s32 $0x40, s21;
	s10 =	sadd.s32 $0x540, s21;
	s12 =	sadd.s32 $0x1940, s21  }
0x10: {  	s13 =	sadd.s32 $0x2D40, s21;
	s14 =	sadd.s32 $0x4140, s21;
	s31 =	sshrl.u32 s16, $0x2  }
0x11: {  	s21 =	smul.u32 $0x9C40, s17;
	s22 =	sadd.s32 $0x160, s20;
	[dreg:$0x6] =	wrdreg s20  }
0x12: {  	s23 =	sadd.s32 $0x660, s20;
	s24 =	sadd.s32 $0xB60, s20;
	[dreg:$0x7] =	wrdreg s22  }
0x13: {  	s4 =	sadd.s32 $0x1060, s20;
	s11 =	sshrl.u32 s11, $0x2;
	[dreg:$0x8] =	wrdreg s23  }
0x14: {  	s20 =	sshrl.u32 s8, $0x3;
	[dreg:$0xa] =	wrdreg s4;
	s4 =	smul.u32 $0xA00, s17  }
0x15: {  	[dreg:$0x9] =	wrdreg s24;
	s1 =	sadd.s32 s1, s11;
	s11 =	smul.u32 $0x2710, s6  }
0x16: {  	s2 =	sadd.s32 s2, s20;
	[dreg:$0xb] =	wrdreg s1;
	s1 =	sshrl.u32 s25, $0x2  }
0x17: {  	[dreg:$0xe] =	wrdreg s2;
	s25 =	sadd.s32 $0x280, s2;
	s2 =	simm.s32 $0x3  }
0x18: {  	s1 =	sadd.s32 s1, s5;
	s5 =	sadd.s32 s31, s5;
	[dreg:$0x10] =	wrdreg s25  }
0x19: {  	s16 =	sshrl.u32 s4, $0x2;
	s0 =	sadd.s32 s29, s1;
	[dreg:$0xd] =	wrdreg s5  }
0x1a: {  	s31 =	sadd.s32 s18, s21;
	s1 =	sadd.s32 s16, s19;
	[dreg:$0xc] =	wrdreg s0  }
0x1b: {  	s29 =	smax.u32 s15, $0x1;
	s0 =	sadd.s32 s11, s7;
	[dreg:$0xf] =	wrdreg s1  }
0x1c: {  	s25 =	sand.u32 $0xC0, s21;
	[dreg:$0x11] =	wrdreg s29;
	s26 =	sshll.u32 s0, $0x1  }
0x1d: {  	s22 =	sand.u32 $0x70, s0;
	s0 =	simm.s32 $0x2;
	s1 =	sand.u32 $0x1FFF00, s26  }
0x1e: {  	v0 =	vimm.f32 $0.0e+00;
	v1 =	vimm.f32 $1.000000000e+00;
	s26 =	sadd.s32 $0x30, s22;
	s23 =	ssub.s32 s31, s1;
	s24 =	ssub.s32 s21, s1  }
.LBB2_1:
0x1f: {  	s1 =	rddreg [dreg:$0x6];
	s4 =	simm.s32 $0x2800  }
0x20: {  	[tilespmem:s4], [sflag:$0x2] =	stream.linear.gather [hbm4b:s1+s3], $0xB00, $0x38;
	[tilespmem:$0x19080] =	vst v63  }
0x21: {  	s15 =	rddreg [dreg:$0x7];
	s16 =	simm.s32 $0x3300  }
0x22: {  	[tilespmem:s16], [sflag:$0x2] =	stream.linear.gather [hbm4b:s15+s3], $0x2800, $0x38;
	[tilespmem:$0x19080] =	vst v63  }
0x23: {  	s17 =	rddreg [dreg:$0x8];
	s19 =	simm.s32 $0x5B00  }
0x24: {  	[tilespmem:s19], [sflag:$0x2] =	stream.linear.gather [hbm4b:s17+s3], $0x2800, $0x38;
	[tilespmem:$0x19080] =	vst v63  }
0x25: {  	s20 =	rddreg [dreg:$0x9];
	s21 =	simm.s32 $0x8300  }
0x26: {  	[tilespmem:s21], [sflag:$0x2] =	stream.linear.gather [hbm4b:s20+s3], $0x2800, $0x38;
	[tilespmem:$0x19080] =	vst v63  }
0x27: {  	s29 =	rddreg [dreg:$0xa];
	s31 =	simm.s32 $0xAB00;
	s1 =	simm.s32 $0x20  }
0x28: {  	[tilespmem:s31], [sflag:$0x2] =	stream.linear.gather [hbm4b:s29+s3], $0x1A00, $0x38;
	[tilespmem:$0x19080] =	vst v63  }
0x29: {  	[tilespmem:s1+$0xFFFFFFE0] =	vst v0  }
0x2a: {  	[tilespmem:s1+$0x10] =	vst v0  }
0x2b: {  	s5 =	simm.s32 $0x0;
	[tilespmem:s1+$0x0] =	vst v0  }
.LBB2_2:
0x2c: {  	s5 =	sadd.s32 $0x4, s5  }
0x2d: {  	[tilespmem:s1+$0xFFFFFFF0] =	vst v0;
	s1 =	sadd.s32 $0x40, s1;
	p0 =	slt.u32 s5, $0x27C  }
.Ltmp0:
0x2e: {  	[tilespmem:s1+$0xFFFFFFE0] =	vst v0;
	(pc) =	sbr.rel @p0 .LBB2_2-.Ltmp0, $3  }
0x2f: {  	_ =	sdelay $0x1  }
0x30: {  	[tilespmem:s1+$0x10] =	vst v0  }
0x31: {  	[tilespmem:s1+$0x0] =	vst v0  }
0x32: {  	[tilespmem:s1+$0xFFFFFFF0] =	vst v0;
	s20 =	sadd.s32 $0x80, s25;
	s5 =	sand.u32 $0x70, s9  }
0x33: {  	s6 =	sadd.s32 $0xFFFFFFD0, s9;
	s21 =	sadd.s32 $0x20, s25;
	_ =	swait.ge [sflag:s0], $0xB00  }
0x34: {  	s7 =	sadd.s32 $0xFFFFFFE0, s9;
	s1 =	sand.u32 $0xFFFFFF00, s20;
	[sflag:s0] =	ssyncset.done $0x0  }
0x35: {  	s8 =	sadd.s32 $0x40, s25;
	s1 =	sor.u32 s5, s1;
	[sflag:s0] =	ssyncadd.s32 $0xFFFFF500  }
0x36: {  	s29 =	sadd.s32 $0xFFFFFFC0, s9;
	s6 =	sand.u32 $0x70, s6;
	s5 =	sand.u32 $0xFFFFFF00, s21;
	v3 =	vld [tilespmem:s1+$0x2880]  }
0x37: {  	s11 =	sand.u32 $0xFFFFFF00, s25;
	s4 =	sadd.s32 $0xFFFFFFF0, s9;
	s5 =	sor.u32 s6, s5  }
0x38: {  	s15 =	sadd.s32 $0x60, s25;
	s31 =	sadd.s32 $0xA0, s25;
	s1 =	sand.u32 $0x70, s29;
	v5 =	vld [tilespmem:s5+$0x2880]  }
0x39: {  	s7 =	sand.u32 $0x70, s7;
	s15 =	sand.u32 $0xFFFFFF00, s15;
	s1 =	sor.u32 s1, s11  }
0x3a: {  	s16 =	sadd.s32 $0x80, s31;
	s11 =	sand.u32 $0xFFFFFF00, s8;
	v6 =	vld [tilespmem:s1+$0x2880];
	s1 =	sadd.s32 $0x50, s9  }
0x3b: {  	s8 =	sand.u32 $0xFFFFFF00, s16;
	s7 =	sor.u32 s7, s11;
	s17 =	sand.u32 $0x70, s1  }
0x3c: {  	s20 =	sadd.s32 $0x20, s31;
	s6 =	sand.u32 $0x70, s4;
	v2 =	vld [tilespmem:s7+$0x2880];
	s7 =	sor.u32 s17, s8  }
0x3d: {  	s6 =	sor.u32 s6, s15;
	s5 =	simm.s32 $0x5;
	s29 =	sadd.s32 $0x40, s31;
	v4 =	vld [tilespmem:s7+$0x2880]  }
0x3e: {  	s15 =	sand.u32 $0xFFFFFF00, s20;
	s20 =	sand.u32 $0xFFFFFF00, s31;
	s4 =	sadd.s32 $0xFFFFFFC0, s1;
	[tilespmem:v3+s3+$0x0] =	vst.idx.add.f32.msk $0xffff, v1  }
0x3f: {  	s19 =	sadd.s32 $0xFFFFFFD0, s1;
	s21 =	sadd.s32 $0xFFFFFFE0, s1;
	s7 =	sand.u32 $0x70, s4;
	v3 =	vld [tilespmem:s6+$0x2880]  }
0x40: {  	s16 =	sadd.s32 $0xFFFFFFF0, s1;
	s8 =	sand.u32 $0xFFFFFF00, s29;
	s29 =	sor.u32 s7, s20;
	[tilespmem:v5+s3+$0x0] =	vst.idx.add.f32.msk $0xffff, v1  }
0x41: {  	s11 =	sand.u32 $0x70, s19;
	s19 =	sadd.s32 $0x60, s31;
	s17 =	sand.u32 $0x70, s16;
	v5 =	vld [tilespmem:s29+$0x2880]  }
0x42: {  	s11 =	sor.u32 s11, s15;
	s6 =	sand.u32 $0x70, s21;
	s21 =	sand.u32 $0xFFFFFF00, s19;
	[tilespmem:v6+s3+$0x0] =	vst.idx.add.f32.msk $0xffff, v1  }
0x43: {  	s8 =	sor.u32 s6, s8;
	s7 =	sor.u32 s17, s21;
	s6 =	sadd.s32 $0xA0, s31;
	v6 =	vld [tilespmem:s11+$0x2880]  }
.LBB2_4:
0x44: {  	s11 =	sadd.s32 $0x80, s6  }
0x45: {  	s5 =	sadd.s32 $0x5, s5;
	v7 =	vld [tilespmem:s8+$0x2880];
	s1 =	sadd.s32 $0x50, s1;
	s16 =	sadd.s32 $0x20, s6  }
0x46: {  	s8 =	sand.u32 $0x70, s1;
	s11 =	sand.u32 $0xFFFFFF00, s11;
	p0 =	slt.u32 s5, $0x4B;
	[tilespmem:v4+s3+$0x0] =	vst.idx.add.f32.msk $0xffff, v1  }
0x47: {  	s20 =	sadd.s32 $0x60, s6;
	s15 =	sadd.s32 $0xFFFFFFD0, s1;
	s8 =	sor.u32 s8, s11;
	v8 =	vld [tilespmem:s7+$0x2880]  }
0x48: {  	s19 =	sadd.s32 $0xFFFFFFF0, s1;
	s7 =	sadd.s32 $0xFFFFFFE0, s1;
	s11 =	sadd.s32 $0x40, s6;
	v4 =	vld [tilespmem:s8+$0x2880]  }
0x49: {  	s15 =	sand.u32 $0x70, s15;
	s8 =	sadd.s32 $0xFFFFFFC0, s1;
	s7 =	sand.u32 $0x70, s7;
	[tilespmem:v2+s3+$0x0] =	vst.idx.add.f32.msk $0xffff, v1  }
.Ltmp1:
0x4a: {  	s21 =	sand.u32 $0x70, s8;
	s8 =	sand.u32 $0xFFFFFF00, s16;
	[tilespmem:v3+s3+$0x0] =	vst.idx.add.f32.msk $0xffff, v1;
	(pc) =	sbr.rel @p0 .LBB2_4-.Ltmp1, $4  }
0x4b: {  	s11 =	sand.u32 $0xFFFFFF00, s11;
	s16 =	sand.u32 $0x70, s19;
	s19 =	sand.u32 $0xFFFFFF00, s20;
	v2 =	vmov v7;
	[tilespmem:v6+s3+$0x0] =	vst.idx.add.f32.msk $0xffff, v1  }
0x4c: {  	s20 =	sand.u32 $0xFFFFFF00, s6;
	s15 =	sor.u32 s15, s8;
	s8 =	sor.u32 s7, s11;
	[tilespmem:v5+s3+$0x0] =	vst.idx.add.f32.msk $0xffff, v1;
	v3 =	vmov v8  }
0x4d: {  	s11 =	sor.u32 s21, s20;
	s7 =	sor.u32 s16, s19;
	v6 =	vld [tilespmem:s15+$0x2880]  }
0x4e: {  	s6 =	sadd.s32 $0xA0, s6;
	v5 =	vld [tilespmem:s11+$0x2880]  }
0x4f: {  	_ = 	snop  }
0x50: {  	v7 =	vld [tilespmem:s8+$0x2880]  }
0x51: {  	v8 =	vld [tilespmem:s7+$0x2880];
	_ =	sdelay $0x1  }
0x52: {  	[tilespmem:v4+s3+$0x0] =	vst.idx.add.f32.msk $0xffff, v1  }
0x53: {  	[tilespmem:v2+s3+$0x0] =	vst.idx.add.f32.msk $0xffff, v1  }
0x54: {  	[tilespmem:v3+s3+$0x0] =	vst.idx.add.f32.msk $0xffff, v1  }
0x55: {  	[tilespmem:v6+s3+$0x0] =	vst.idx.add.f32.msk $0xffff, v1  }
0x56: {  	[tilespmem:v5+s3+$0x0] =	vst.idx.add.f32.msk $0xffff, v1  }
0x57: {  	[tilespmem:v7+s3+$0x0] =	vst.idx.add.f32.msk $0xffff, v1  }
0x58: {  	s1 =	sadd.s32 $0xA80, s25;
	s5 =	sand.u32 $0x70, s10;
	s6 =	sadd.s32 $0xA00, s25;
	[tilespmem:v8+s3+$0x0] =	vst.idx.add.f32.msk $0xffff, v1  }
0x59: {  	s4 =	sadd.s32 $0xFFFFFFD0, s10;
	s8 =	sadd.s32 $0xA20, s25;
	_ =	swait.ge [sflag:s0], $0x2800  }
0x5a: {  	s16 =	sadd.s32 $0xFFFFFFE0, s10;
	s1 =	sand.u32 $0xFFFFFF00, s1;
	[sflag:s0] =	ssyncset.done $0x0  }
0x5b: {  	s11 =	sadd.s32 $0xA40, s25;
	s1 =	sor.u32 s5, s1;
	[sflag:s0] =	ssyncadd.s32 $0xFFFFD800  }
0x5c: {  	s17 =	sadd.s32 $0xFFFFFFC0, s10;
	s7 =	sand.u32 $0x70, s4;
	s5 =	sand.u32 $0xFFFFFF00, s8;
	v3 =	vld [tilespmem:s1+$0x2880]  }
0x5d: {  	s15 =	sadd.s32 $0xFFFFFFF0, s10;
	s19 =	sadd.s32 $0xA60, s25;
	s20 =	sor.u32 s7, s5  }
0x5e: {  	s6 =	sand.u32 $0xFFFFFF00, s6;
	s21 =	sand.u32 $0xFFFFFF00, s11;
	s1 =	sand.u32 $0x70, s17;
	v6 =	vld [tilespmem:s20+$0x2880]  }
0x5f: {  	s29 =	sand.u32 $0x70, s15;
	s4 =	sadd.s32 $0xA80, s31;
	s1 =	sor.u32 s1, s6  }
0x60: {  	s8 =	sand.u32 $0x70, s16;
	s16 =	sadd.s32 $0xA40, s31;
	s5 =	sadd.s32 $0x50, s10;
	v5 =	vld [tilespmem:s1+$0x2880]  }
0x61: {  	s8 =	sor.u32 s8, s21;
	s7 =	sand.u32 $0xFFFFFF00, s4;
	s11 =	sand.u32 $0x70, s5  }
0x62: {  	s15 =	sadd.s32 $0xA00, s31;
	s16 =	sand.u32 $0xFFFFFF00, s16;
	s7 =	sor.u32 s11, s7;
	v2 =	vld [tilespmem:s8+$0x2880]  }
0x63: {  	s21 =	sadd.s32 $0xFFFFFFD0, s5;
	s4 =	sadd.s32 $0xFFFFFFE0, s5;
	v4 =	vld [tilespmem:s7+$0x2880];
	s6 =	sand.u32 $0xFFFFFF00, s19  }
0x64: {  	s11 =	sand.u32 $0xFFFFFF00, s15;
	s6 =	sor.u32 s29, s6;
	s29 =	sadd.s32 $0xA20, s31;
	[tilespmem:v3+s3+$0x0] =	vst.idx.add.f32.msk $0xffff, v1  }
0x65: {  	s15 =	sand.u32 $0x70, s21;
	s17 =	sadd.s32 $0xFFFFFFF0, s5;
	s8 =	sand.u32 $0xFFFFFF00, s29;
	v3 =	vld [tilespmem:s6+$0x2880]  }
0x66: {  	s20 =	sadd.s32 $0xA60, s31;
	s19 =	sadd.s32 $0xFFFFFFC0, s5;
	s29 =	sor.u32 s15, s8;
	[tilespmem:v6+s3+$0x0] =	vst.idx.add.f32.msk $0xffff, v1  }
0x67: {  	s7 =	sand.u32 $0x70, s17;
	s21 =	sand.u32 $0xFFFFFF00, s20;
	s19 =	sand.u32 $0x70, s19;
	v6 =	vld [tilespmem:s29+$0x2880]  }
0x68: {  	s1 =	simm.s32 $0x5;
	s11 =	sor.u32 s19, s11;
	s6 =	sand.u32 $0x70, s4;
	[tilespmem:v5+s3+$0x0] =	vst.idx.add.f32.msk $0xffff, v1  }
0x69: {  	s7 =	sor.u32 s7, s21;
	s8 =	sor.u32 s6, s16;
	s6 =	sadd.s32 $0xA0, s31;
	v5 =	vld [tilespmem:s11+$0x2880]  }
.LBB2_6:
0x6a: {  	s11 =	sadd.s32 $0xA80, s6  }
0x6b: {  	s1 =	sadd.s32 $0x5, s1;
	v7 =	vld [tilespmem:s8+$0x2880];
	s5 =	sadd.s32 $0x50, s5;
	s15 =	sadd.s32 $0xA00, s6  }
0x6c: {  	s8 =	sand.u32 $0x70, s5;
	s11 =	sand.u32 $0xFFFFFF00, s11;
	p0 =	slt.u32 s1, $0x13B;
	[tilespmem:v4+s3+$0x0] =	vst.idx.add.f32.msk $0xffff, v1  }
0x6d: {  	s19 =	sadd.s32 $0xA40, s6;
	s16 =	sadd.s32 $0xFFFFFFD0, s5;
	s8 =	sor.u32 s8, s11;
	v8 =	vld [tilespmem:s7+$0x2880]  }
0x6e: {  	s21 =	sadd.s32 $0xA60, s6;
	s7 =	sadd.s32 $0xA20, s6;
	s11 =	sadd.s32 $0xFFFFFFE0, s5;
	v4 =	vld [tilespmem:s8+$0x2880]  }
0x6f: {  	s20 =	sadd.s32 $0xFFFFFFF0, s5;
	s15 =	sand.u32 $0xFFFFFF00, s15;
	s8 =	sadd.s32 $0xFFFFFFC0, s5;
	[tilespmem:v2+s3+$0x0] =	vst.idx.add.f32.msk $0xffff, v1  }
.Ltmp2:
0x70: {  	s16 =	sand.u32 $0x70, s16;
	s8 =	sand.u32 $0x70, s8;
	[tilespmem:v3+s3+$0x0] =	vst.idx.add.f32.msk $0xffff, v1;
	(pc) =	sbr.rel @p0 .LBB2_6-.Ltmp2, $4  }
0x71: {  	s19 =	sand.u32 $0xFFFFFF00, s19;
	s7 =	sand.u32 $0xFFFFFF00, s7;
	s11 =	sand.u32 $0x70, s11;
	v2 =	vmov v7;
	[tilespmem:v5+s3+$0x0] =	vst.idx.add.f32.msk $0xffff, v1  }
0x72: {  	s8 =	sor.u32 s8, s15;
	s15 =	sand.u32 $0x70, s20;
	s20 =	sand.u32 $0xFFFFFF00, s21;
	[tilespmem:v6+s3+$0x0] =	vst.idx.add.f32.msk $0xffff, v1;
	v3 =	vmov v8  }
0x73: {  	s16 =	sor.u32 s16, s7;
	s7 =	sor.u32 s15, s20;
	v5 =	vld [tilespmem:s8+$0x2880];
	s8 =	sor.u32 s11, s19  }
0x74: {  	s6 =	sadd.s32 $0xA0, s6;
	v6 =	vld [tilespmem:s16+$0x2880]  }
0x75: {  	_ = 	snop  }
0x76: {  	v7 =	vld [tilespmem:s8+$0x2880]  }
0x77: {  	v8 =	vld [tilespmem:s7+$0x2880];
	_ =	sdelay $0x1  }
0x78: {  	[tilespmem:v4+s3+$0x0] =	vst.idx.add.f32.msk $0xffff, v1  }
0x79: {  	[tilespmem:v2+s3+$0x0] =	vst.idx.add.f32.msk $0xffff, v1  }
0x7a: {  	[tilespmem:v3+s3+$0x0] =	vst.idx.add.f32.msk $0xffff, v1  }
0x7b: {  	[tilespmem:v5+s3+$0x0] =	vst.idx.add.f32.msk $0xffff, v1  }
0x7c: {  	[tilespmem:v6+s3+$0x0] =	vst.idx.add.f32.msk $0xffff, v1  }
0x7d: {  	[tilespmem:v7+s3+$0x0] =	vst.idx.add.f32.msk $0xffff, v1  }
0x7e: {  	s4 =	simm.s32 $0xC500;
	s29 =	sadd.s32 $0x3280, s25;
	[tilespmem:v8+s3+$0x0] =	vst.idx.add.f32.msk $0xffff, v1  }
0x7f: {  	s5 =	sand.u32 $0x70, s12;
	s6 =	sadd.s32 $0x3200, s25;
	s1 =	rddreg [dreg:$0xb]  }
0x80: {  	[tilespmem:s4], [sflag:$0x1] =	stream.linear.gather [hbm4b:s1+s3], $0x4F00, $0x38;
	[tilespmem:$0x19080] =	vst v63  }
0x81: {  	s8 =	sadd.s32 $0x3220, s25;
	s16 =	sadd.s32 $0xFFFFFFE0, s12;
	_ =	swait.ge [sflag:s0], $0x2800  }
0x82: {  	s11 =	sadd.s32 $0x3240, s25;
	s1 =	sand.u32 $0xFFFFFF00, s29;
	[sflag:s0] =	ssyncset.done $0x0  }
0x83: {  	s4 =	sadd.s32 $0xFFFFFFD0, s12;
	s1 =	sor.u32 s5, s1;
	[sflag:s0] =	ssyncadd.s32 $0xFFFFD800  }
0x84: {  	s17 =	sadd.s32 $0xFFFFFFC0, s12;
	s7 =	sand.u32 $0x70, s4;
	s5 =	sand.u32 $0xFFFFFF00, s8;
	v3 =	vld [tilespmem:s1+$0x2880]  }
0x85: {  	s15 =	sadd.s32 $0xFFFFFFF0, s12;
	s19 =	sadd.s32 $0x3260, s25;
	s20 =	sor.u32 s7, s5  }
0x86: {  	s6 =	sand.u32 $0xFFFFFF00, s6;
	s21 =	sand.u32 $0xFFFFFF00, s11;
	s1 =	sand.u32 $0x70, s17;
	v6 =	vld [tilespmem:s20+$0x2880]  }
0x87: {  	s29 =	sand.u32 $0x70, s15;
	s8 =	sand.u32 $0x70, s16;
	s1 =	sor.u32 s1, s6  }
0x88: {  	s4 =	sadd.s32 $0x3280, s31;
	s16 =	sadd.s32 $0x3240, s31;
	s5 =	sadd.s32 $0x50, s12;
	v5 =	vld [tilespmem:s1+$0x2880]  }
0x89: {  	s8 =	sor.u32 s8, s21;
	s7 =	sand.u32 $0xFFFFFF00, s4;
	s11 =	sand.u32 $0x70, s5  }
0x8a: {  	s15 =	sadd.s32 $0x3200, s31;
	s16 =	sand.u32 $0xFFFFFF00, s16;
	v2 =	vld [tilespmem:s8+$0x2880];
	s7 =	sor.u32 s11, s7  }
0x8b: {  	s21 =	sadd.s32 $0xFFFFFFD0, s5;
	s4 =	sadd.s32 $0xFFFFFFE0, s5;
	s6 =	sand.u32 $0xFFFFFF00, s19;
	v4 =	vld [tilespmem:s7+$0x2880]  }
0x8c: {  	s17 =	sadd.s32 $0xFFFFFFF0, s5;
	s6 =	sor.u32 s29, s6;
	s29 =	sadd.s32 $0x3220, s31;
	[tilespmem:v3+s3+$0x0] =	vst.idx.add.f32.msk $0xffff, v1  }
0x8d: {  	s11 =	sand.u32 $0xFFFFFF00, s15;
	s15 =	sand.u32 $0x70, s21;
	s8 =	sand.u32 $0xFFFFFF00, s29;
	v3 =	vld [tilespmem:s6+$0x2880]  }
0x8e: {  	s20 =	sadd.s32 $0x3260, s31;
	s19 =	sadd.s32 $0xFFFFFFC0, s5;
	s29 =	sor.u32 s15, s8;
	[tilespmem:v6+s3+$0x0] =	vst.idx.add.f32.msk $0xffff, v1  }
0x8f: {  	s7 =	sand.u32 $0x70, s17;
	s21 =	sand.u32 $0xFFFFFF00, s20;
	s19 =	sand.u32 $0x70, s19;
	v6 =	vld [tilespmem:s29+$0x2880]  }
0x90: {  	s1 =	simm.s32 $0x5;
	s11 =	sor.u32 s19, s11;
	s6 =	sand.u32 $0x70, s4;
	[tilespmem:v5+s3+$0x0] =	vst.idx.add.f32.msk $0xffff, v1  }
0x91: {  	s7 =	sor.u32 s7, s21;
	s8 =	sor.u32 s6, s16;
	s6 =	sadd.s32 $0xA0, s31;
	v5 =	vld [tilespmem:s11+$0x2880]  }
.LBB2_8:
0x92: {  	s11 =	sadd.s32 $0x3280, s6  }
0x93: {  	s1 =	sadd.s32 $0x5, s1;
	v7 =	vld [tilespmem:s8+$0x2880];
	s5 =	sadd.s32 $0x50, s5;
	s15 =	sadd.s32 $0x3200, s6  }
0x94: {  	s8 =	sand.u32 $0x70, s5;
	s11 =	sand.u32 $0xFFFFFF00, s11;
	p0 =	slt.u32 s1, $0x13B;
	[tilespmem:v4+s3+$0x0] =	vst.idx.add.f32.msk $0xffff, v1  }
0x95: {  	s19 =	sadd.s32 $0x3240, s6;
	s16 =	sadd.s32 $0xFFFFFFD0, s5;
	s8 =	sor.u32 s8, s11;
	v8 =	vld [tilespmem:s7+$0x2880]  }
0x96: {  	s21 =	sadd.s32 $0x3260, s6;
	s7 =	sadd.s32 $0x3220, s6;
	s11 =	sadd.s32 $0xFFFFFFE0, s5;
	v4 =	vld [tilespmem:s8+$0x2880]  }
0x97: {  	s20 =	sadd.s32 $0xFFFFFFF0, s5;
	s15 =	sand.u32 $0xFFFFFF00, s15;
	s8 =	sadd.s32 $0xFFFFFFC0, s5;
	[tilespmem:v2+s3+$0x0] =	vst.idx.add.f32.msk $0xffff, v1  }
.Ltmp3:
0x98: {  	s16 =	sand.u32 $0x70, s16;
	s8 =	sand.u32 $0x70, s8;
	[tilespmem:v3+s3+$0x0] =	vst.idx.add.f32.msk $0xffff, v1;
	(pc) =	sbr.rel @p0 .LBB2_8-.Ltmp3, $4  }
0x99: {  	s19 =	sand.u32 $0xFFFFFF00, s19;
	s7 =	sand.u32 $0xFFFFFF00, s7;
	s11 =	sand.u32 $0x70, s11;
	v2 =	vmov v7;
	[tilespmem:v5+s3+$0x0] =	vst.idx.add.f32.msk $0xffff, v1  }
0x9a: {  	s8 =	sor.u32 s8, s15;
	s15 =	sand.u32 $0x70, s20;
	s20 =	sand.u32 $0xFFFFFF00, s21;
	[tilespmem:v6+s3+$0x0] =	vst.idx.add.f32.msk $0xffff, v1;
	v3 =	vmov v8  }
0x9b: {  	s16 =	sor.u32 s16, s7;
	s7 =	sor.u32 s15, s20;
	v5 =	vld [tilespmem:s8+$0x2880];
	s8 =	sor.u32 s11, s19  }
0x9c: {  	s6 =	sadd.s32 $0xA0, s6;
	v6 =	vld [tilespmem:s16+$0x2880]  }
0x9d: {  	_ = 	snop  }
0x9e: {  	v7 =	vld [tilespmem:s8+$0x2880]  }
0x9f: {  	v8 =	vld [tilespmem:s7+$0x2880];
	_ =	sdelay $0x1  }
0xa0: {  	[tilespmem:v4+s3+$0x0] =	vst.idx.add.f32.msk $0xffff, v1  }
0xa1: {  	[tilespmem:v2+s3+$0x0] =	vst.idx.add.f32.msk $0xffff, v1  }
0xa2: {  	[tilespmem:v3+s3+$0x0] =	vst.idx.add.f32.msk $0xffff, v1  }
0xa3: {  	[tilespmem:v5+s3+$0x0] =	vst.idx.add.f32.msk $0xffff, v1  }
0xa4: {  	[tilespmem:v6+s3+$0x0] =	vst.idx.add.f32.msk $0xffff, v1  }
0xa5: {  	[tilespmem:v7+s3+$0x0] =	vst.idx.add.f32.msk $0xffff, v1  }
0xa6: {  	s1 =	sadd.s32 $0x5A80, s25;
	s5 =	sand.u32 $0x70, s13;
	s6 =	sadd.s32 $0x5A00, s25;
	[tilespmem:v8+s3+$0x0] =	vst.idx.add.f32.msk $0xffff, v1  }
0xa7: {  	s4 =	sadd.s32 $0xFFFFFFD0, s13;
	s8 =	sadd.s32 $0x5A20, s25;
	_ =	swait.ge [sflag:s0], $0x2800  }
0xa8: {  	s16 =	sadd.s32 $0xFFFFFFE0, s13;
	s1 =	sand.u32 $0xFFFFFF00, s1;
	[sflag:s0] =	ssyncset.done $0x0  }
0xa9: {  	s11 =	sadd.s32 $0x5A40, s25;
	s1 =	sor.u32 s5, s1;
	[sflag:s0] =	ssyncadd.s32 $0xFFFFD800  }
0xaa: {  	s17 =	sadd.s32 $0xFFFFFFC0, s13;
	s7 =	sand.u32 $0x70, s4;
	s5 =	sand.u32 $0xFFFFFF00, s8;
	v3 =	vld [tilespmem:s1+$0x2880]  }
0xab: {  	s15 =	sadd.s32 $0xFFFFFFF0, s13;
	s19 =	sadd.s32 $0x5A60, s25;
	s20 =	sor.u32 s7, s5  }
0xac: {  	s6 =	sand.u32 $0xFFFFFF00, s6;
	s21 =	sand.u32 $0xFFFFFF00, s11;
	s1 =	sand.u32 $0x70, s17;
	v6 =	vld [tilespmem:s20+$0x2880]  }
0xad: {  	s29 =	sand.u32 $0x70, s15;
	s4 =	sadd.s32 $0x5A80, s31;
	s1 =	sor.u32 s1, s6  }
0xae: {  	s8 =	sand.u32 $0x70, s16;
	s16 =	sadd.s32 $0x5A40, s31;
	s5 =	sadd.s32 $0x50, s13;
	v5 =	vld [tilespmem:s1+$0x2880]  }
0xaf: {  	s8 =	sor.u32 s8, s21;
	s7 =	sand.u32 $0xFFFFFF00, s4;
	s11 =	sand.u32 $0x70, s5  }
0xb0: {  	s15 =	sadd.s32 $0x5A00, s31;
	s16 =	sand.u32 $0xFFFFFF00, s16;
	s7 =	sor.u32 s11, s7;
	v2 =	vld [tilespmem:s8+$0x2880]  }
0xb1: {  	s21 =	sadd.s32 $0xFFFFFFD0, s5;
	s4 =	sadd.s32 $0xFFFFFFE0, s5;
	v4 =	vld [tilespmem:s7+$0x2880];
	s6 =	sand.u32 $0xFFFFFF00, s19  }
0xb2: {  	s11 =	sand.u32 $0xFFFFFF00, s15;
	s6 =	sor.u32 s29, s6;
	s29 =	sadd.s32 $0x5A20, s31;
	[tilespmem:v3+s3+$0x0] =	vst.idx.add.f32.msk $0xffff, v1  }
0xb3: {  	s15 =	sand.u32 $0x70, s21;
	s17 =	sadd.s32 $0xFFFFFFF0, s5;
	s8 =	sand.u32 $0xFFFFFF00, s29;
	v3 =	vld [tilespmem:s6+$0x2880]  }
0xb4: {  	s20 =	sadd.s32 $0x5A60, s31;
	s19 =	sadd.s32 $0xFFFFFFC0, s5;
	s29 =	sor.u32 s15, s8;
	[tilespmem:v6+s3+$0x0] =	vst.idx.add.f32.msk $0xffff, v1  }
0xb5: {  	s7 =	sand.u32 $0x70, s17;
	s21 =	sand.u32 $0xFFFFFF00, s20;
	s19 =	sand.u32 $0x70, s19;
	v6 =	vld [tilespmem:s29+$0x2880]  }
0xb6: {  	s1 =	simm.s32 $0x5;
	s11 =	sor.u32 s19, s11;
	s6 =	sand.u32 $0x70, s4;
	[tilespmem:v5+s3+$0x0] =	vst.idx.add.f32.msk $0xffff, v1  }
0xb7: {  	s7 =	sor.u32 s7, s21;
	s8 =	sor.u32 s6, s16;
	s6 =	sadd.s32 $0xA0, s31;
	v5 =	vld [tilespmem:s11+$0x2880]  }
.LBB2_10:
0xb8: {  	s11 =	sadd.s32 $0x5A80, s6  }
0xb9: {  	s1 =	sadd.s32 $0x5, s1;
	v7 =	vld [tilespmem:s8+$0x2880];
	s5 =	sadd.s32 $0x50, s5;
	s15 =	sadd.s32 $0x5A00, s6  }
0xba: {  	s8 =	sand.u32 $0x70, s5;
	s11 =	sand.u32 $0xFFFFFF00, s11;
	p0 =	slt.u32 s1, $0x13B;
	[tilespmem:v4+s3+$0x0] =	vst.idx.add.f32.msk $0xffff, v1  }
0xbb: {  	s19 =	sadd.s32 $0x5A40, s6;
	s16 =	sadd.s32 $0xFFFFFFD0, s5;
	s8 =	sor.u32 s8, s11;
	v8 =	vld [tilespmem:s7+$0x2880]  }
0xbc: {  	s21 =	sadd.s32 $0x5A60, s6;
	s7 =	sadd.s32 $0x5A20, s6;
	s11 =	sadd.s32 $0xFFFFFFE0, s5;
	v4 =	vld [tilespmem:s8+$0x2880]  }
0xbd: {  	s20 =	sadd.s32 $0xFFFFFFF0, s5;
	s15 =	sand.u32 $0xFFFFFF00, s15;
	s8 =	sadd.s32 $0xFFFFFFC0, s5;
	[tilespmem:v2+s3+$0x0] =	vst.idx.add.f32.msk $0xffff, v1  }
.Ltmp4:
0xbe: {  	s16 =	sand.u32 $0x70, s16;
	s8 =	sand.u32 $0x70, s8;
	[tilespmem:v3+s3+$0x0] =	vst.idx.add.f32.msk $0xffff, v1;
	(pc) =	sbr.rel @p0 .LBB2_10-.Ltmp4, $4  }
0xbf: {  	s19 =	sand.u32 $0xFFFFFF00, s19;
	s7 =	sand.u32 $0xFFFFFF00, s7;
	s11 =	sand.u32 $0x70, s11;
	v2 =	vmov v7;
	[tilespmem:v5+s3+$0x0] =	vst.idx.add.f32.msk $0xffff, v1  }
0xc0: {  	s8 =	sor.u32 s8, s15;
	s15 =	sand.u32 $0x70, s20;
	s20 =	sand.u32 $0xFFFFFF00, s21;
	[tilespmem:v6+s3+$0x0] =	vst.idx.add.f32.msk $0xffff, v1;
	v3 =	vmov v8  }
0xc1: {  	s16 =	sor.u32 s16, s7;
	s7 =	sor.u32 s15, s20;
	v5 =	vld [tilespmem:s8+$0x2880];
	s8 =	sor.u32 s11, s19  }
0xc2: {  	s6 =	sadd.s32 $0xA0, s6;
	v6 =	vld [tilespmem:s16+$0x2880]  }
0xc3: {  	_ = 	snop  }
0xc4: {  	v7 =	vld [tilespmem:s8+$0x2880]  }
0xc5: {  	v8 =	vld [tilespmem:s7+$0x2880];
	_ =	sdelay $0x1  }
0xc6: {  	[tilespmem:v4+s3+$0x0] =	vst.idx.add.f32.msk $0xffff, v1  }
0xc7: {  	[tilespmem:v2+s3+$0x0] =	vst.idx.add.f32.msk $0xffff, v1  }
0xc8: {  	[tilespmem:v3+s3+$0x0] =	vst.idx.add.f32.msk $0xffff, v1  }
0xc9: {  	[tilespmem:v5+s3+$0x0] =	vst.idx.add.f32.msk $0xffff, v1  }
0xca: {  	[tilespmem:v6+s3+$0x0] =	vst.idx.add.f32.msk $0xffff, v1  }
0xcb: {  	[tilespmem:v7+s3+$0x0] =	vst.idx.add.f32.msk $0xffff, v1  }
0xcc: {  	s1 =	sadd.s32 $0x8280, s25;
	s5 =	sand.u32 $0x70, s14;
	s6 =	sadd.s32 $0x8200, s25;
	[tilespmem:v8+s3+$0x0] =	vst.idx.add.f32.msk $0xffff, v1  }
0xcd: {  	s4 =	sadd.s32 $0xFFFFFFD0, s14;
	s8 =	sadd.s32 $0x8220, s25;
	_ =	swait.ge [sflag:s0], $0x1A00  }
0xce: {  	s16 =	sadd.s32 $0xFFFFFFE0, s14;
	s1 =	sand.u32 $0xFFFFFF00, s1;
	[sflag:s0] =	ssyncset.done $0x0  }
0xcf: {  	s11 =	sadd.s32 $0x8240, s25;
	s1 =	sor.u32 s5, s1;
	[sflag:s0] =	ssyncadd.s32 $0xFFFFE600  }
0xd0: {  	s17 =	sadd.s32 $0xFFFFFFC0, s14;
	s7 =	sand.u32 $0x70, s4;
	s5 =	sand.u32 $0xFFFFFF00, s8;
	v3 =	vld [tilespmem:s1+$0x2880]  }
0xd1: {  	s15 =	sadd.s32 $0xFFFFFFF0, s14;
	s19 =	sadd.s32 $0x8260, s25;
	s20 =	sor.u32 s7, s5  }
0xd2: {  	s6 =	sand.u32 $0xFFFFFF00, s6;
	s21 =	sand.u32 $0xFFFFFF00, s11;
	s1 =	sand.u32 $0x70, s17;
	v6 =	vld [tilespmem:s20+$0x2880]  }
0xd3: {  	s29 =	sand.u32 $0x70, s15;
	s4 =	sadd.s32 $0x8280, s31;
	s1 =	sor.u32 s1, s6  }
0xd4: {  	s8 =	sand.u32 $0x70, s16;
	s16 =	sadd.s32 $0x8240, s31;
	s5 =	sadd.s32 $0x50, s14;
	v5 =	vld [tilespmem:s1+$0x2880]  }
0xd5: {  	s8 =	sor.u32 s8, s21;
	s7 =	sand.u32 $0xFFFFFF00, s4;
	s11 =	sand.u32 $0x70, s5  }
0xd6: {  	s15 =	sadd.s32 $0x8200, s31;
	s16 =	sand.u32 $0xFFFFFF00, s16;
	s7 =	sor.u32 s11, s7;
	v2 =	vld [tilespmem:s8+$0x2880]  }
0xd7: {  	s21 =	sadd.s32 $0xFFFFFFD0, s5;
	s4 =	sadd.s32 $0xFFFFFFE0, s5;
	v4 =	vld [tilespmem:s7+$0x2880];
	s6 =	sand.u32 $0xFFFFFF00, s19  }
0xd8: {  	s11 =	sand.u32 $0xFFFFFF00, s15;
	s6 =	sor.u32 s29, s6;
	s29 =	sadd.s32 $0x8220, s31;
	[tilespmem:v3+s3+$0x0] =	vst.idx.add.f32.msk $0xffff, v1  }
0xd9: {  	s15 =	sand.u32 $0x70, s21;
	s17 =	sadd.s32 $0xFFFFFFF0, s5;
	s8 =	sand.u32 $0xFFFFFF00, s29;
	v3 =	vld [tilespmem:s6+$0x2880]  }
0xda: {  	s20 =	sadd.s32 $0x8260, s31;
	s19 =	sadd.s32 $0xFFFFFFC0, s5;
	s29 =	sor.u32 s15, s8;
	[tilespmem:v6+s3+$0x0] =	vst.idx.add.f32.msk $0xffff, v1  }
0xdb: {  	s7 =	sand.u32 $0x70, s17;
	s21 =	sand.u32 $0xFFFFFF00, s20;
	s19 =	sand.u32 $0x70, s19;
	v6 =	vld [tilespmem:s29+$0x2880]  }
0xdc: {  	s1 =	simm.s32 $0x5;
	s11 =	sor.u32 s19, s11;
	s6 =	sand.u32 $0x70, s4;
	[tilespmem:v5+s3+$0x0] =	vst.idx.add.f32.msk $0xffff, v1  }
0xdd: {  	s7 =	sor.u32 s7, s21;
	s8 =	sor.u32 s6, s16;
	s6 =	sadd.s32 $0xA0, s31;
	v5 =	vld [tilespmem:s11+$0x2880]  }
.LBB2_12:
0xde: {  	s11 =	sadd.s32 $0x8280, s6  }
0xdf: {  	s1 =	sadd.s32 $0x5, s1;
	v7 =	vld [tilespmem:s8+$0x2880];
	s5 =	sadd.s32 $0x50, s5;
	s15 =	sadd.s32 $0x8200, s6  }
0xe0: {  	s8 =	sand.u32 $0x70, s5;
	s11 =	sand.u32 $0xFFFFFF00, s11;
	p0 =	slt.u32 s1, $0xCD;
	[tilespmem:v4+s3+$0x0] =	vst.idx.add.f32.msk $0xffff, v1  }
0xe1: {  	s19 =	sadd.s32 $0x8240, s6;
	s16 =	sadd.s32 $0xFFFFFFD0, s5;
	s8 =	sor.u32 s8, s11;
	v8 =	vld [tilespmem:s7+$0x2880]  }
0xe2: {  	s21 =	sadd.s32 $0x8260, s6;
	s7 =	sadd.s32 $0x8220, s6;
	s11 =	sadd.s32 $0xFFFFFFE0, s5;
	v4 =	vld [tilespmem:s8+$0x2880]  }
0xe3: {  	s20 =	sadd.s32 $0xFFFFFFF0, s5;
	s15 =	sand.u32 $0xFFFFFF00, s15;
	s8 =	sadd.s32 $0xFFFFFFC0, s5;
	[tilespmem:v2+s3+$0x0] =	vst.idx.add.f32.msk $0xffff, v1  }
.Ltmp5:
0xe4: {  	s16 =	sand.u32 $0x70, s16;
	s8 =	sand.u32 $0x70, s8;
	[tilespmem:v3+s3+$0x0] =	vst.idx.add.f32.msk $0xffff, v1;
	(pc) =	sbr.rel @p0 .LBB2_12-.Ltmp5, $4  }
0xe5: {  	s19 =	sand.u32 $0xFFFFFF00, s19;
	s7 =	sand.u32 $0xFFFFFF00, s7;
	s11 =	sand.u32 $0x70, s11;
	v2 =	vmov v7;
	[tilespmem:v5+s3+$0x0] =	vst.idx.add.f32.msk $0xffff, v1  }
0xe6: {  	s8 =	sor.u32 s8, s15;
	s15 =	sand.u32 $0x70, s20;
	s20 =	sand.u32 $0xFFFFFF00, s21;
	[tilespmem:v6+s3+$0x0] =	vst.idx.add.f32.msk $0xffff, v1;
	v3 =	vmov v8  }
0xe7: {  	s16 =	sor.u32 s16, s7;
	s7 =	sor.u32 s15, s20;
	v5 =	vld [tilespmem:s8+$0x2880];
	s8 =	sor.u32 s11, s19  }
0xe8: {  	s6 =	sadd.s32 $0xA0, s6;
	v6 =	vld [tilespmem:s16+$0x2880]  }
0xe9: {  	_ = 	snop  }
0xea: {  	v7 =	vld [tilespmem:s8+$0x2880]  }
0xeb: {  	v8 =	vld [tilespmem:s7+$0x2880];
	_ =	sdelay $0x1  }
0xec: {  	[tilespmem:v4+s3+$0x0] =	vst.idx.add.f32.msk $0xffff, v1  }
0xed: {  	[tilespmem:v2+s3+$0x0] =	vst.idx.add.f32.msk $0xffff, v1  }
0xee: {  	[tilespmem:v3+s3+$0x0] =	vst.idx.add.f32.msk $0xffff, v1  }
0xef: {  	[tilespmem:v5+s3+$0x0] =	vst.idx.add.f32.msk $0xffff, v1  }
0xf0: {  	[tilespmem:v6+s3+$0x0] =	vst.idx.add.f32.msk $0xffff, v1  }
0xf1: {  	[tilespmem:v7+s3+$0x0] =	vst.idx.add.f32.msk $0xffff, v1  }
0xf2: {  	s7 =	simm.s32 $0x0;
	[tilespmem:v8+s3+$0x0] =	vst.idx.add.f32.msk $0xffff, v1  }
0xf3: {  	s4 =	simm.s32 $0x80;
	s5 =	simm.s32 $0x400;
	s1 =	rddreg [dreg:$0xc]  }
0xf4: {  	[spmem:s1] =	stream.strided.scatter [tilespmem:s7], [sflag:$0x4], $0x2800, s5, s4, $0x38;
	[tilespmem:$0x19080] =	vst v63  }
0xf5: {  	_ =	swait.ge [sflag:s30], $0x2800  }
0xf6: {  	[sflag:s30] =	ssyncset.done $0x0  }
0xf7: {  	[sflag:s30] =	ssyncadd.s32 $0xFFFFD800  }
0xf8: {  	s20 =	simm.s32 $0x1400;
	[bflag:$0x0] =	sbarrier.arrive $0xFFFF  }
0xf9: {  	s21 =	simm.s32 $0x14000;
	s6 =	simm.s32 $0x11400;
	s19 =	rddreg [dreg:$0xd]  }
0xfa: {  	[tilespmem:s6], [sflag:$0x4] =	stream.strided.gather [spmem:s19], $0x2800, s21, s20, $0x38;
	[tilespmem:$0x19080] =	vst v63  }
0xfb: {  	s1 =	sand.u32 $0x60, s7;
	s5 =	sand.u32 $0x1C00, s7;
	_ =	swait.ge [sflag:s30], $0x2800  }
0xfc: {  	s29 =	sadd.s32 $0x11400, s5;
	s8 =	sor.u32 $0x10, s1;
	[sflag:s30] =	ssyncset.done $0x0  }
0xfd: {  	s11 =	sor.u32 s8, s29;
	[sflag:s30] =	ssyncadd.s32 $0xFFFFD800  }
0xfe: {  	v2 =	vld [tilespmem:s11+$0x0]  }
0xff: {  	s6 =	sor.u32 s1, s29;
	v3 =	vld [tilespmem:s11+$0x80]  }
0x100: {  	v4 =	vld [tilespmem:s6+$0x0]  }
0x101: {  	v5 =	vld [tilespmem:s11+$0x100]  }
0x102: {  	v6 =	vld [tilespmem:s6+$0x80]  }
0x103: {  	v7 =	vld [tilespmem:s11+$0x180]  }
0x104: {  	v8 =	vld [tilespmem:s6+$0x100]  }
0x105: {  	v9 =	vld [tilespmem:s11+$0x200]  }
0x106: {  	v10 =	vld [tilespmem:s6+$0x180]  }
0x107: {  	v11 =	vld [tilespmem:s11+$0x280]  }
0x108: {  	v12 =	vld [tilespmem:s6+$0x200]  }
0x109: {  	v13 =	vld [tilespmem:s11+$0x300]  }
0x10a: {  	v14 =	vld [tilespmem:s6+$0x280]  }
0x10b: {  	s15 =	sadd.s32 $0x12800, s5;
	v15 =	vld [tilespmem:s11+$0x380]  }
0x10c: {  	s4 =	sor.u32 s8, s15;
	v16 =	vld [tilespmem:s6+$0x300]  }
0x10d: {  	s16 =	sadd.s32 $0x12880, s5;
	v17 =	vld [tilespmem:s4+$0x0]  }
0x10e: {  	s17 =	sor.u32 s8, s16;
	v18 =	vld [tilespmem:s6+$0x380]  }
0x10f: {  	s19 =	sor.u32 s1, s15;
	s20 =	sadd.s32 $0x12900, s5;
	v19 =	vld [tilespmem:s17+$0x0]  }
0x110: {  	s21 =	sor.u32 s8, s20;
	v20 =	vld [tilespmem:s19+$0x0]  }
0x111: {  	s29 =	sor.u32 s1, s16;
	v21 =	vld [tilespmem:s21+$0x0]  }
0x112: {  	s4 =	sadd.s32 $0x12980, s5;
	v22 =	vld [tilespmem:s29+$0x0];
	s19 =	sor.u32 s1, s20  }
0x113: {  	s20 =	sadd.s32 $0x12A00, s5;
	s17 =	sor.u32 s8, s4;
	v24 =	vld [tilespmem:s19+$0x0]  }
0x114: {  	s21 =	sor.u32 s8, s20;
	v23 =	vld [tilespmem:s17+$0x0]  }
0x115: {  	s29 =	sor.u32 s1, s4;
	v25 =	vld [tilespmem:s21+$0x0]  }
0x116: {  	s4 =	sadd.s32 $0x12A80, s5;
	s15 =	sor.u32 s1, s20;
	v26 =	vld [tilespmem:s29+$0x0]  }
0x117: {  	s11 =	sor.u32 s8, s4;
	v28 =	vld [tilespmem:s15+$0x0]  }
0x118: {  	s17 =	sadd.s32 $0x12B00, s5;
	s20 =	sor.u32 s1, s4;
	v27 =	vld [tilespmem:s11+$0x0]  }
0x119: {  	s21 =	sadd.s32 $0x12B80, s5;
	s4 =	simm.s32 $0x100;
	s19 =	sor.u32 s8, s17;
	v30 =	vld [tilespmem:s20+$0x0]  }
0x11a: {  	s31 =	simm.s32 $0x20;
	s29 =	sor.u32 s8, s21;
	s11 =	sand.u32 $0x1C00, s4;
	v29 =	vld [tilespmem:s19+$0x0];
	v2 =	vadd.f32 v3, v2  }
0x11b: {  	s5 =	sand.u32 $0x60, s31;
	s15 =	sor.u32 s1, s17;
	s19 =	sadd.s32 $0x11400, s11;
	v3 =	vadd.f32 v6, v4;
	v4 =	vld [tilespmem:s29+$0x0]  }
0x11c: {  	s17 =	sor.u32 s1, s21;
	s1 =	sor.u32 $0x10, s5;
	v6 =	vld [tilespmem:s15+$0x0];
	s21 =	sor.u32 s5, s19;
	v2 =	vadd.f32 v5, v2  }
0x11d: {  	s20 =	sor.u32 s1, s19;
	v53 =	vld [tilespmem:s21+$0x80];
	v3 =	vadd.f32 v8, v3  }
0x11e: {  	v8 =	vld [tilespmem:s20+$0x0];
	v2 =	vadd.f32 v7, v2  }
0x11f: {  	v3 =	vadd.f32 v10, v3;
	v7 =	vld [tilespmem:s20+$0x80]  }
0x120: {  	v54 =	vld [tilespmem:s20+$0x200];
	v2 =	vadd.f32 v9, v2  }
0x121: {  	v3 =	vadd.f32 v12, v3;
	v9 =	vld [tilespmem:s20+$0x100]  }
0x122: {  	v10 =	vld [tilespmem:s21+$0x0];
	v2 =	vadd.f32 v11, v2  }
0x123: {  	v3 =	vadd.f32 v14, v3;
	v11 =	vld [tilespmem:s20+$0x180]  }
0x124: {  	v7 =	vadd.f32 v7, v8;
	v8 =	vld [tilespmem:s21+$0x100];
	v2 =	vadd.f32 v13, v2  }
0x125: {  	v55 =	vld [tilespmem:s20+$0x280];
	v3 =	vadd.f32 v16, v3  }
0x126: {  	v7 =	vadd.f32 v9, v7;
	v9 =	vld [tilespmem:s21+$0x180];
	v2 =	vadd.f32 v15, v2  }
0x127: {  	v56 =	vld [tilespmem:s20+$0x300];
	v10 =	vadd.f32 v53, v10;
	v3 =	vadd.f32 v18, v3  }
0x128: {  	v7 =	vadd.f32 v11, v7;
	v11 =	vld [tilespmem:s21+$0x200];
	v2 =	vadd.f32 v17, v2  }
0x129: {  	v57 =	vld [tilespmem:s20+$0x380];
	v3 =	vadd.f32 v20, v3;
	v8 =	vadd.f32 v8, v10  }
0x12a: {  	v10 =	vld [tilespmem:s21+$0x280];
	v7 =	vadd.f32 v54, v7;
	v2 =	vadd.f32 v19, v2  }
0x12b: {  	s29 =	sadd.s32 $0x12800, s11;
	v5 =	vld [tilespmem:s17+$0x0];
	v3 =	vadd.f32 v22, v3;
	v8 =	vadd.f32 v9, v8  }
0x12c: {  	s4 =	sor.u32 s1, s29;
	v9 =	vld [tilespmem:s21+$0x300];
	v7 =	vadd.f32 v55, v7;
	v2 =	vadd.f32 v21, v2  }
0x12d: {  	s19 =	sadd.s32 $0x12880, s11;
	v58 =	vld [tilespmem:s4+$0x0];
	v3 =	vadd.f32 v24, v3;
	v8 =	vadd.f32 v11, v8  }
0x12e: {  	s15 =	sor.u32 s1, s19;
	v11 =	vld [tilespmem:s21+$0x380];
	v7 =	vadd.f32 v56, v7;
	v2 =	vadd.f32 v23, v2  }
0x12f: {  	s17 =	sor.u32 s5, s29;
	v59 =	vld [tilespmem:s15+$0x0];
	s20 =	sadd.s32 $0x12900, s11;
	v3 =	vadd.f32 v26, v3;
	v8 =	vadd.f32 v10, v8  }
0x130: {  	s21 =	sor.u32 s1, s20;
	v10 =	vld [tilespmem:s17+$0x0];
	v7 =	vadd.f32 v57, v7;
	v2 =	vadd.f32 v25, v2  }
0x131: {  	s29 =	sor.u32 s5, s19;
	s4 =	sadd.s32 $0x12980, s11;
	v60 =	vld [tilespmem:s21+$0x0];
	v3 =	vadd.f32 v28, v3;
	v8 =	vadd.f32 v9, v8  }
0x132: {  	s17 =	sor.u32 s1, s4;
	v9 =	vld [tilespmem:s29+$0x0];
	v7 =	vadd.f32 v58, v7;
	v2 =	vadd.f32 v27, v2  }
0x133: {  	s16 =	sadd.s32 $0x12A00, s11;
	s20 =	sor.u32 s5, s20;
	v61 =	vld [tilespmem:s17+$0x0];
	v3 =	vadd.f32 v30, v3;
	v8 =	vadd.f32 v11, v8  }
0x134: {  	s21 =	sor.u32 s1, s16;
	v11 =	vld [tilespmem:s20+$0x0];
	v7 =	vadd.f32 v59, v7;
	v62 =	vadd.f32 v29, v2  }
0x135: {  	v63 =	vld [tilespmem:s21+$0x0];
	s29 =	sor.u32 s5, s4;
	s4 =	sadd.s32 $0x12A80, s11;
	v3 =	vadd.f32 v6, v3;
	v6 =	vadd.f32 v10, v8  }
0x136: {  	s6 =	simm.s32 $0x13C00;
	s17 =	sor.u32 s1, s4;
	v2 =	vld [tilespmem:s29+$0x0];
	v7 =	vadd.f32 v60, v7;
	v8 =	vadd.f32 v4, v62  }
0x137: {  	s16 =	sor.u32 s5, s16;
	s21 =	sadd.s32 $0x12B00, s11;
	s20 =	sand.u32 $0x380, s7;
	v10 =	vadd.f32 v5, v3;
	v3 =	vld [tilespmem:s17+$0x0];
	v6 =	vadd.f32 v9, v6  }
0x138: {  	s19 =	sadd.s32 $0x12B80, s11;
	s8 =	sor.u32 s8, s20;
	s20 =	sor.u32 s1, s21;
	v4 =	vld [tilespmem:s16+$0x0];
	v7 =	vadd.f32 v61, v7  }
0x139: {  	s11 =	simm.s32 $0x40;
	s7 =	simm.s32 $0x2;
	s29 =	sor.u32 s5, s4;
	v5 =	vld [tilespmem:s20+$0x0];
	[tilespmem:s8+$0x13C00] =	vst v8;
	v8 =	vadd.f32 v11, v6  }
0x13a: {  	s16 =	sor.u32 s5, s21;
	s20 =	sor.u32 s1, s19;
	[tilespmem:s6+$0x0] =	vst v10;
	v6 =	vld [tilespmem:s29+$0x0];
	s8 =	simm.s32 $0x200;
	v7 =	vadd.f32 v63, v7  }
.LBB2_14:
0x13b: {  	s15 =	sand.u32 $0x1C00, s8;
	v2 =	vadd.f32 v2, v8;
	s19 =	sor.u32 s5, s19;
	s5 =	sand.u32 $0x60, s11;
	v8 =	vld [tilespmem:s20+$0x0]  }
0x13c: {  	s7 =	sadd.s32 $0x2, s7;
	s20 =	sadd.s32 $0x11400, s15;
	s21 =	sor.u32 $0x10, s5;
	v9 =	vld [tilespmem:s16+$0x0];
	v3 =	vadd.f32 v3, v7  }
0x13d: {  	p0 =	slt.u32 s7, $0x26;
	s16 =	sor.u32 s5, s20;
	s20 =	sor.u32 s21, s20;
	v2 =	vadd.f32 v4, v2;
	v4 =	vld [tilespmem:s19+$0x0]  }
0x13e: {  	v7 =	vld [tilespmem:s20+$0x0];
	v3 =	vadd.f32 v5, v3  }
0x13f: {  	v5 =	vld [tilespmem:s20+$0x80];
	v2 =	vadd.f32 v6, v2  }
0x140: {  	s19 =	sand.u32 $0x380, s31;
	s31 =	smov.u32 s11;
	v6 =	vld [tilespmem:s16+$0x0];
	v3 =	vadd.f32 v8, v3  }
0x141: {  	s19 =	sor.u32 s1, s19;
	s1 =	smov.u32 s21;
	v8 =	vld [tilespmem:s20+$0x100];
	v2 =	vadd.f32 v9, v2  }
0x142: {  	v9 =	vld [tilespmem:s16+$0x80];
	[tilespmem:s19+$0x13C00] =	vst v3  }
0x143: {  	v3 =	vld [tilespmem:s20+$0x180];
	v2 =	vadd.f32 v4, v2  }
0x144: {  	s6 =	sadd.s32 $0x20, s6;
	v4 =	vld [tilespmem:s16+$0x100];
	v5 =	vadd.f32 v5, v7  }
0x145: {  	v7 =	vld [tilespmem:s20+$0x200];
	[tilespmem:s6+$0x0] =	vst v2  }
0x146: {  	v2 =	vld [tilespmem:s16+$0x180];
	v5 =	vadd.f32 v8, v5  }
0x147: {  	v6 =	vadd.f32 v9, v6;
	v8 =	vld [tilespmem:s20+$0x280]  }
0x148: {  	v9 =	vld [tilespmem:s16+$0x200];
	v3 =	vadd.f32 v3, v5  }
0x149: {  	v4 =	vadd.f32 v4, v6;
	v5 =	vld [tilespmem:s20+$0x300]  }
0x14a: {  	v6 =	vld [tilespmem:s16+$0x280];
	v3 =	vadd.f32 v7, v3  }
0x14b: {  	s19 =	sadd.s32 $0x12800, s15;
	v2 =	vadd.f32 v2, v4;
	v4 =	vld [tilespmem:s20+$0x380]  }
0x14c: {  	s20 =	sor.u32 s5, s19;
	s19 =	sor.u32 s1, s19;
	v7 =	vld [tilespmem:s16+$0x300];
	v3 =	vadd.f32 v8, v3  }
0x14d: {  	s21 =	sadd.s32 $0x12880, s15;
	v2 =	vadd.f32 v9, v2;
	v8 =	vld [tilespmem:s19+$0x0]  }
0x14e: {  	s19 =	sor.u32 s1, s21;
	v9 =	vld [tilespmem:s16+$0x380];
	s16 =	sor.u32 s5, s21;
	v3 =	vadd.f32 v5, v3  }
0x14f: {  	s21 =	sadd.s32 $0x12900, s15;
	v2 =	vadd.f32 v6, v2;
	v5 =	vld [tilespmem:s19+$0x0]  }
0x150: {  	s19 =	sor.u32 s5, s21;
	v6 =	vld [tilespmem:s20+$0x0];
	v3 =	vadd.f32 v4, v3;
	s20 =	sor.u32 s1, s21  }
0x151: {  	s21 =	sadd.s32 $0x12980, s15;
	v2 =	vadd.f32 v7, v2;
	v4 =	vld [tilespmem:s20+$0x0]  }
0x152: {  	s20 =	sor.u32 s1, s21;
	v7 =	vld [tilespmem:s16+$0x0];
	s16 =	sor.u32 s5, s21;
	v3 =	vadd.f32 v8, v3  }
0x153: {  	s21 =	sadd.s32 $0x12A00, s15;
	v2 =	vadd.f32 v9, v2;
	v8 =	vld [tilespmem:s20+$0x0]  }
0x154: {  	s20 =	sor.u32 s1, s21;
	v9 =	vld [tilespmem:s19+$0x0];
	s19 =	sor.u32 s5, s21;
	v3 =	vadd.f32 v5, v3  }
0x155: {  	s21 =	sadd.s32 $0x12A80, s15;
	v5 =	vadd.f32 v6, v2;
	v10 =	vld [tilespmem:s20+$0x0]  }
.Ltmp6:
0x156: {  	s20 =	sor.u32 s5, s21;
	v2 =	vld [tilespmem:s16+$0x0];
	v6 =	vadd.f32 v4, v3;
	s16 =	sor.u32 s1, s21;
	(pc) =	sbr.rel @p0 .LBB2_14-.Ltmp6, $4  }
0x157: {  	s21 =	sadd.s32 $0x12B00, s15;
	v5 =	vadd.f32 v7, v5;
	v3 =	vld [tilespmem:s16+$0x0]  }
0x158: {  	s16 =	sor.u32 s5, s21;
	s21 =	sor.u32 s1, s21;
	v4 =	vld [tilespmem:s19+$0x0];
	v7 =	vadd.f32 v8, v6  }
0x159: {  	s19 =	sadd.s32 $0x12B80, s15;
	v8 =	vadd.f32 v9, v5;
	v5 =	vld [tilespmem:s21+$0x0]  }
0x15a: {  	s8 =	sadd.s32 $0x100, s8;
	s11 =	sadd.s32 $0x20, s11;
	v6 =	vld [tilespmem:s20+$0x0];
	v7 =	vadd.f32 v10, v7;
	s20 =	sor.u32 s1, s19  }
0x15b: {  	v2 =	vadd.f32 v2, v8  }
0x15c: {  	v8 =	vld [tilespmem:s16+$0x0]  }
0x15d: {  	s5 =	sor.u32 s5, s19;
	v9 =	vld [tilespmem:s20+$0x0];
	v2 =	vadd.f32 v4, v2  }
0x15e: {  	v3 =	vadd.f32 v3, v7;
	v4 =	vld [tilespmem:s5+$0x0]  }
0x15f: {  	v2 =	vadd.f32 v6, v2  }
0x160: {  	v3 =	vadd.f32 v5, v3  }
0x161: {  	v2 =	vadd.f32 v8, v2  }
0x162: {  	s20 =	sand.u32 $0x380, s31;
	v3 =	vadd.f32 v9, v3  }
0x163: {  	s1 =	sor.u32 s1, s20;
	v2 =	vadd.f32 v4, v2  }
0x164: {  	s21 =	sadd.s32 $0x20, s6;
	[tilespmem:s1+$0x13C00] =	vst v3  }
0x165: {  	[tilespmem:s21+$0x0] =	vst v2  }
0x166: {  	s4 =	simm.s32 $0x13C00;
	s1 =	rddreg [dreg:$0xf]  }
0x167: {  	[spmem:s1] =	stream.linear.scatter [tilespmem:s4], [sflag:$0x4], $0x280, $0x38;
	[tilespmem:$0x19080] =	vst v63  }
0x168: {  	_ =	swait.ge [sflag:s30], $0x280  }
0x169: {  	[sflag:s30] =	ssyncset.done $0x0  }
0x16a: {  	[sflag:s30] =	ssyncadd.s32 $0xFFFFFD80  }
0x16b: {  	[bflag:$0x0] =	sbarrier.arrive $0xFFFF  }
0x16c: {  	s29 =	rddreg [dreg:$0x4]  }
0x16d: {  	[tilespmem:s3], [sflag:$0x4] =	stream.linear.gather [spmem:s29], $0x2800, $0x38;
	[tilespmem:$0x19080] =	vst v63  }
0x16e: {  	_ =	swait.ge [sflag:s30], $0x2800  }
0x16f: {  	[sflag:s30] =	ssyncset.done $0x0  }
0x170: {  	s31 =	sadd.s32 s24, s18;
	s6 =	simm.s32 $0x1;
	[sflag:s30] =	ssyncadd.s32 $0xFFFFD800  }
0x171: {  	s7 =	sadd.s32 $0x60, s31;
	_ =	swait.ge [sflag:s6], $0x4F00  }
0x172: {  	s8 =	sand.u32 $0x70, s26;
	s1 =	sand.u32 $0xFFFFFF00, s7;
	[sflag:s6] =	ssyncset.done $0x0  }
0x173: {  	s1 =	sor.u32 s8, s1;
	[sflag:s6] =	ssyncadd.s32 $0xFFFFB100  }
0x174: {  	s11 =	sadd.s32 $0xFFFFFFD0, s26;
	v2 =	vld [tilespmem:s1+$0xC580]  }
0x175: {  	s7 =	sand.u32 $0xFFFFFF00, s31;
	s6 =	sand.u32 $0x70, s11  }
0x176: {  	s17 =	sadd.s32 $0xFFFFFFF0, s26;
	s15 =	sadd.s32 $0x20, s31;
	s6 =	sor.u32 s6, s7  }
0x177: {  	s5 =	sadd.s32 $0x40, s31;
	s16 =	sand.u32 $0xFFFFFF00, s15;
	s8 =	sadd.s32 $0xFFFFFFE0, s26;
	v4 =	vld [tilespmem:s6+$0xC580]  }
0x178: {  	s5 =	sand.u32 $0xFFFFFF00, s5;
	s8 =	sand.u32 $0x70, s8;
	s11 =	sadd.s32 $0x80, s24  }
0x179: {  	s7 =	sand.u32 $0x70, s17;
	s19 =	sadd.s32 s11, s18;
	s6 =	sor.u32 s8, s16  }
0x17a: {  	s7 =	sor.u32 s7, s5;
	s20 =	sadd.s32 $0x60, s19;
	s5 =	sadd.s32 $0x40, s26;
	v5 =	vld [tilespmem:s6+$0xC580]  }
0x17b: {  	v3 =	vld [tilespmem:s7+$0xC580];
	s21 =	sand.u32 $0x70, s5;
	s6 =	sand.u32 $0xFFFFFF00, s20  }
0x17c: {  	s1 =	simm.s32 $0x13EA0;
	s15 =	sadd.s32 $0x20, s19;
	s6 =	sor.u32 s21, s6;
	v6 =	vld.idx.msk [tilespmem:v2+s3+$0x0], $0xffff  }
0x17d: {  	s31 =	sadd.s32 $0x40, s19;
	s29 =	sadd.s32 $0xFFFFFFE0, s5;
	s4 =	sadd.s32 $0xFFFFFFD0, s5;
	v2 =	vld [tilespmem:s6+$0xC580]  }
0x17e: {  	s15 =	sand.u32 $0xFFFFFF00, s15;
	s20 =	sand.u32 $0xFFFFFF00, s19;
	s17 =	sand.u32 $0x70, s4  }
0x17f: {  	s21 =	sadd.s32 $0xFFFFFFF0, s5;
	s29 =	sand.u32 $0x70, s29;
	s6 =	sor.u32 s17, s20;
	v7 =	vld.idx.msk [tilespmem:v4+s3+$0x0], $0xffff  }
0x180: {  	s31 =	sand.u32 $0xFFFFFF00, s31;
	s8 =	sand.u32 $0x70, s21;
	s7 =	sor.u32 s29, s15;
	v4 =	vld [tilespmem:s6+$0xC580]  }
0x181: {  	s8 =	sor.u32 s8, s31;
	v8 =	vld [tilespmem:s7+$0xC580];
	s7 =	sadd.s32 $0x80, s11;
	s6 =	simm.s32 $0x4  }
.LBB2_16:
0x182: {  	s11 =	sadd.s32 s7, s18;
	s6 =	sadd.s32 $0x4, s6;
	v9 =	vld [tilespmem:s8+$0xC580];
	[tilespmem:s1+$0x10] =	vst v6;
	s5 =	sadd.s32 $0x40, s5  }
0x183: {  	s8 =	sadd.s32 $0x60, s11;
	p0 =	slt.u32 s6, $0x13C;
	v10 =	vld.idx.msk [tilespmem:v5+s3+$0x0], $0xffff;
	s15 =	sadd.s32 $0x20, s11  }
0x184: {  	s16 =	sand.u32 $0x70, s5;
	s19 =	sadd.s32 $0xFFFFFFE0, s5;
	s8 =	sand.u32 $0xFFFFFF00, s8;
	v11 =	vld.idx.msk [tilespmem:v3+s3+$0x0], $0xffff  }
0x185: {  	s20 =	sadd.s32 $0x40, s11;
	s21 =	sadd.s32 $0xFFFFFFF0, s5;
	s8 =	sor.u32 s16, s8;
	v6 =	vld.idx.msk [tilespmem:v2+s3+$0x0], $0xffff;
	[tilespmem:s1+$0xFFFFFFE0] =	vst v7  }
.Ltmp7:
0x186: {  	s15 =	sand.u32 $0xFFFFFF00, s15;
	s16 =	sadd.s32 $0xFFFFFFD0, s5;
	v2 =	vld [tilespmem:s8+$0xC580];
	(pc) =	sbr.rel @p0 .LBB2_16-.Ltmp7, $4  }
0x187: {  	s11 =	sand.u32 $0xFFFFFF00, s11;
	s8 =	sand.u32 $0x70, s16;
	s16 =	sand.u32 $0xFFFFFF00, s20;
	v5 =	vmov v8;
	v3 =	vmov v9  }
0x188: {  	s8 =	sor.u32 s8, s11;
	s11 =	sand.u32 $0x70, s19;
	s19 =	sand.u32 $0x70, s21;
	v7 =	vld.idx.msk [tilespmem:v4+s3+$0x0], $0xffff  }
0x189: {  	s11 =	sor.u32 s11, s15;
	v4 =	vld [tilespmem:s8+$0xC580];
	s8 =	sor.u32 s19, s16;
	[tilespmem:s1+$0xFFFFFFF0] =	vst v10  }
0x18a: {  	s7 =	sadd.s32 $0x80, s7;
	v8 =	vld [tilespmem:s11+$0xC580];
	[tilespmem:s1+$0x0] =	vst v11;
	s1 =	sadd.s32 $0x40, s1  }
0x18b: {  	_ = 	snop  }
0x18c: {  	v9 =	vld [tilespmem:s8+$0xC580];
	_ =	sdelay $0x2  }
0x18d: {  	v5 =	vld.idx.msk [tilespmem:v5+s3+$0x0], $0xffff  }
0x18e: {  	v3 =	vld.idx.msk [tilespmem:v3+s3+$0x0], $0xffff  }
0x18f: {  	v2 =	vld.idx.msk [tilespmem:v2+s3+$0x0], $0xffff  }
0x190: {  	[tilespmem:s1+$0x10] =	vst v6;
	v4 =	vld.idx.msk [tilespmem:v4+s3+$0x0], $0xffff  }
0x191: {  	[tilespmem:s1+$0xFFFFFFE0] =	vst v7;
	v6 =	vld.idx.msk [tilespmem:v8+s3+$0x0], $0xffff  }
0x192: {  	[tilespmem:s1+$0xFFFFFFF0] =	vst v5;
	v5 =	vld.idx.msk [tilespmem:v9+s3+$0x0], $0xffff  }
0x193: {  	s29 =	sadd.s32 $0x40, s1;
	s5 =	simm.s32 $0x0;
	s4 =	simm.s32 $0x13E80;
	[tilespmem:s1+$0x0] =	vst v3  }
0x194: {  	s6 =	sadd.s32 $0x0, s22;
	s31 =	sadd.s32 $0x2880, s23;
	s19 =	sadd.s32 $0x2820, s23;
	[tilespmem:s29+$0x10] =	vst v2  }
0x195: {  	s20 =	sadd.s32 $0x2840, s23;
	s17 =	sadd.s32 $0x2860, s23;
	s7 =	sadd.s32 $0x1440, s6;
	[tilespmem:s29+$0xFFFFFFE0] =	vst v4  }
0x196: {  	s11 =	sadd.s32 $0x1400, s6;
	s8 =	sand.u32 $0xFFFFFF00, s31;
	s15 =	sadd.s32 $0x1410, s6;
	[tilespmem:s29+$0xFFFFFFF0] =	vst v6  }
0x197: {  	s16 =	sadd.s32 $0x1420, s6;
	s6 =	sadd.s32 $0x1430, s6;
	s19 =	sand.u32 $0xFFFFFF00, s19;
	[tilespmem:s29+$0x0] =	vst v5  }
0x198: {  	s21 =	sand.u32 $0xFFFFFF00, s20;
	s7 =	sand.u32 $0x70, s7;
	s1 =	rddreg [dreg:$0xe]  }
0x199: {  	[hbm4b:s1+s5] =	stream.linear.scatter [tilespmem:s4], [sflag:$0x3], $0x1400, $0x38;
	[tilespmem:$0x19080] =	vst v63  }
0x19a: {  	s31 =	simm.s32 $0x1400;
	s7 =	sor.u32 s7, s8;
	s4 =	sadd.s32 $0x2800, s23  }
0x19b: {  	s11 =	sand.u32 $0x70, s11;
	s15 =	sand.u32 $0x70, s15;
	v2 =	vld [tilespmem:s7+$0xC580];
	s8 =	sand.u32 $0xFFFFFF00, s4  }
0x19c: {  	s16 =	sand.u32 $0x70, s16;
	s6 =	sand.u32 $0x70, s6;
	s8 =	sor.u32 s11, s8  }
0x19d: {  	s29 =	sor.u32 s15, s19;
	s7 =	sand.u32 $0xFFFFFF00, s17;
	s11 =	sor.u32 s16, s21;
	v4 =	vld [tilespmem:s8+$0xC580]  }
0x19e: {  	v5 =	vld [tilespmem:s29+$0xC580];
	s7 =	sor.u32 s6, s7;
	s16 =	sadd.s32 $0x50, s22;
	s6 =	sadd.s32 $0xA0, s23  }
0x19f: {  	s15 =	sand.u32 $0x70, s5;
	v6 =	vld [tilespmem:s11+$0xC580];
	s4 =	sadd.s32 $0x1440, s16;
	s17 =	sadd.s32 $0x2880, s6  }
0x1a0: {  	s1 =	simm.s32 $0x152C0;
	s19 =	sand.u32 $0x70, s4;
	s20 =	sand.u32 $0xFFFFFF00, s17  }
0x1a1: {  	s5 =	simm.s32 $0x5;
	s8 =	sand.u32 $0x3F80, s31;
	s29 =	sor.u32 s19, s20  }
0x1a2: {  	s11 =	simm.s32 $0x50;
	s21 =	sadd.s32 $0x1400, s16;
	s31 =	sadd.s32 $0x1410, s16;
	v3 =	vld [tilespmem:s29+$0xC580]  }
0x1a3: {  	s17 =	sadd.s32 $0x1420, s16;
	s16 =	sadd.s32 $0x1430, s16;
	s4 =	sadd.s32 $0x2840, s6;
	v8 =	vld.idx.msk [tilespmem:v2+s3+$0x0], $0xffff  }
0x1a4: {  	s21 =	sand.u32 $0x70, s21;
	s31 =	sand.u32 $0x70, s31;
	s15 =	sor.u32 s15, s8;
	v2 =	vld [tilespmem:s7+$0xC580]  }
0x1a5: {  	s19 =	sadd.s32 $0x2800, s6;
	s20 =	sadd.s32 $0x2820, s6;
	s17 =	sand.u32 $0x70, s17;
	v9 =	vld.idx.msk [tilespmem:v4+s3+$0x0], $0xffff  }
0x1a6: {  	s16 =	sand.u32 $0x70, s16;
	s29 =	sadd.s32 $0x2860, s6;
	s19 =	sand.u32 $0xFFFFFF00, s19;
	v5 =	vld.idx.msk [tilespmem:v5+s3+$0x0], $0xffff  }
0x1a7: {  	s20 =	sand.u32 $0xFFFFFF00, s20;
	s19 =	sor.u32 s21, s19;
	s7 =	sand.u32 $0xFFFFFF00, s4;
	v7 =	vld.idx.msk [tilespmem:v6+s3+$0x0], $0xffff  }
0x1a8: {  	s4 =	sand.u32 $0xFFFFFF00, s29;
	s29 =	sor.u32 s31, s20;
	s17 =	sor.u32 s17, s7;
	v4 =	vld [tilespmem:s19+$0xC580]  }
0x1a9: {  	s31 =	simm.s32 $0x1450;
	s16 =	sor.u32 s16, s4;
	s7 =	sand.u32 $0x70, s11;
	v6 =	vld [tilespmem:s17+$0xC580];
	[tilespmem:s1+$0x0] =	vst v8  }
0x1aa: {  	s8 =	sand.u32 $0x3F80, s31;
	s11 =	simm.s32 $0xA0;
	v8 =	vld [tilespmem:s29+$0xC580];
	[tilespmem:s15+$0x13E80] =	vst v9;
	s15 =	simm.s32 $0x152C0  }
.LBB2_18:
0x1ab: {  	s4 =	sadd.s32 s11, s22  }
0x1ac: {  	s5 =	sadd.s32 $0x5, s5;
	v9 =	vld.idx.msk [tilespmem:v3+s3+$0x0], $0xffff;
	s6 =	sadd.s32 $0xA0, s6;
	[tilespmem:s1+$0xFFFFFFD0] =	vst v5;
	s17 =	sadd.s32 $0x1440, s4  }
0x1ad: {  	s19 =	sadd.s32 $0x2880, s6;
	p0 =	slt.u32 s5, $0x12C;
	v10 =	vld [tilespmem:s16+$0xC580];
	[tilespmem:s1+$0xFFFFFFE0] =	vst v7;
	s16 =	sadd.s32 $0x1400, s4  }
0x1ae: {  	s20 =	sadd.s32 $0x1410, s4;
	s17 =	sand.u32 $0x70, s17;
	s19 =	sand.u32 $0xFFFFFF00, s19;
	v11 =	vld.idx.msk [tilespmem:v2+s3+$0x0], $0xffff  }
0x1af: {  	s21 =	sadd.s32 $0x1420, s4;
	s31 =	sadd.s32 $0x2820, s6;
	s17 =	sor.u32 s17, s19  }
0x1b0: {  	s4 =	sadd.s32 $0x1430, s4;
	s29 =	sadd.s32 $0x2860, s6;
	s19 =	sadd.s32 $0x2800, s6;
	v3 =	vld [tilespmem:s17+$0xC580]  }
0x1b1: {  	s1 =	sadd.s32 $0x50, s1;
	s16 =	sand.u32 $0x70, s16;
	s17 =	sadd.s32 $0x2840, s6;
	v12 =	vld.idx.msk [tilespmem:v4+s3+$0x0], $0xffff  }
0x1b2: {  	s20 =	sand.u32 $0x70, s20;
	s21 =	sand.u32 $0x70, s21;
	s31 =	sand.u32 $0xFFFFFF00, s31;
	v5 =	vld.idx.msk [tilespmem:v8+s3+$0x0], $0xffff;
	[tilespmem:s1+$0x0] =	vst v9;
	v2 =	vmov v10  }
.Ltmp8:
0x1b3: {  	s4 =	sand.u32 $0x70, s4;
	s19 =	sand.u32 $0xFFFFFF00, s19;
	v7 =	vld.idx.msk [tilespmem:v6+s3+$0x0], $0xffff;
	(pc) =	sbr.rel @p0 .LBB2_18-.Ltmp8, $4  }
0x1b4: {  	s16 =	sor.u32 s16, s19;
	s17 =	sand.u32 $0xFFFFFF00, s17;
	s19 =	sand.u32 $0xFFFFFF00, s29;
	[tilespmem:s15+$0xFFFFFFF0] =	vst v11  }
0x1b5: {  	s17 =	sor.u32 s21, s17;
	s15 =	sor.u32 s20, s31;
	v4 =	vld [tilespmem:s16+$0xC580];
	s16 =	sor.u32 s4, s19  }
0x1b6: {  	s4 =	sadd.s32 $0x1400, s11;
	v8 =	vld [tilespmem:s15+$0xC580];
	s15 =	sor.u32 s7, s8;
	s7 =	sand.u32 $0x70, s11  }
0x1b7: {  	s8 =	sand.u32 $0x3F80, s4;
	s11 =	sadd.s32 $0x50, s11;
	v6 =	vld [tilespmem:s17+$0xC580];
	[tilespmem:s15+$0x13E80] =	vst v12;
	s15 =	smov.u32 s1  }
0x1b8: {  	_ = 	snop  }
0x1b9: {  	v9 =	vld [tilespmem:s16+$0xC580];
	_ =	sdelay $0x2  }
0x1ba: {  	v3 =	vld.idx.msk [tilespmem:v3+s3+$0x0], $0xffff  }
0x1bb: {  	v2 =	vld.idx.msk [tilespmem:v2+s3+$0x0], $0xffff  }
0x1bc: {  	v4 =	vld.idx.msk [tilespmem:v4+s3+$0x0], $0xffff  }
0x1bd: {  	[tilespmem:s1+$0xFFFFFFD0] =	vst v5;
	v63 =	vld.idx.msk [tilespmem:v8+s3+$0x0], $0xffff  }
0x1be: {  	[tilespmem:s1+$0xFFFFFFE0] =	vst v7;
	s21 =	sadd.s32 $0x50, s1;
	v6 =	vld.idx.msk [tilespmem:v6+s3+$0x0], $0xffff  }
0x1bf: {  	[tilespmem:s21+$0x0] =	vst v3;
	v3 =	vld.idx.msk [tilespmem:v9+s3+$0x0], $0xffff  }
0x1c0: {  	s4 =	sor.u32 s7, s8;
	[tilespmem:s15+$0xFFFFFFF0] =	vst v2  }
0x1c1: {  	[tilespmem:s4+$0x13E80] =	vst v4  }
0x1c2: {  	[tilespmem:s21+$0xFFFFFFD0] =	vst v63  }
0x1c3: {  	[tilespmem:s21+$0xFFFFFFE0] =	vst v6  }
0x1c4: {  	[tilespmem:s21+$0xFFFFFFF0] =	vst v3  }
0x1c5: {  	s29 =	simm.s32 $0x15280;
	s1 =	rddreg [dreg:$0x10]  }
0x1c6: {  	[hbm4b:s1+s3] =	stream.linear.scatter [tilespmem:s29], [sflag:$0x3], $0x1310, $0x38;
	[tilespmem:$0x19080] =	vst v63  }
0x1c7: {  	_ =	swait.ge [sflag:s2], $0x1400  }
0x1c8: {  	[sflag:s2] =	ssyncset.done $0x0  }
0x1c9: {  	[sflag:s2] =	ssyncadd.s32 $0xFFFFEC00  }
0x1ca: {  	_ =	swait.ge [sflag:s2], $0x1310  }
0x1cb: {  	s28 =	sadd.s32 $0x1, s28;
	s31 =	rddreg [dreg:$0x11]  }
0x1cc: {  	p0 =	sne.s32 s28, s31  }
.Ltmp9:
0x1cd: {  	_ = 	snop;
	(pc) =	sbr.rel @p0 .LBB2_1-.Ltmp9, $3  }
0x1ce: {  	_ =	sdelay $0x1  }
0x1cf: {  	[sflag:s2] =	ssyncset.done $0x0  }
0x1d0: {  	[sflag:s2] =	ssyncadd.s32 $0xFFFFECF0  }
0x1d1: {  	_ =	sfence.sel $0x180000  }
0x1d2: {  	[bflag:$0x0] =	sbarrier.arrive $0xFFFF  }
0x1d3: {  	_ =	strace $0x90000047  }
0x1d4: {  	s0 =	stileid.u32;
	[bflag:$0x2] =	sbarrier.arrive $0xFFFF  }
0x1d5: {  	p0 =	sne.s32 s0, $0x0;
	s0 =	rddreg [dreg:$0x5]  }
0x1d6: {  	s0 =	sadd.s32 @!p0 $0x100000, s0  }
0x1d7: {  	[sflag:s0] =	ssyncadd.tile.s32 @!p0 $0x1;
	_ =	shalt  }
.Lfunc_end2:
_tile_overlayer_lowered:
.L_overlay_start_2:
0x1d8: {  	(tag) =	ssettag $0x2  }
0x1d9: {  	s0 =	rddreg [dreg:$0x0];
	s2 =	stileid.u32  }
0x1da: {  	s1 =	rddreg [dreg:$0x1];
	p0 =	sne.s32 s2, $0x0  }
0x1db: {  	s3 =	rddreg [dreg:$0x2];
	[bflag:$0x3] =	sbarrier.arrive $0xFFFF;
	s2 =	simm.s32 @!p0 $0x1C04  }
0x1dc: {  	[timem:s3], [sflag:s2] =	dma.local @!p0 [hbm:s0], s1  }
0x1dd: {  	s0 =	simm.s32 @!p0 $0x4  }
0x1de: {  	_ =	swait.ge @!p0 [sflag:s0], s1  }
0x1df: {  	s1 =	ssub.s32 @!p0 $0x0, s1;
	[sflag:s0] =	ssyncset.done @!p0 $0x0  }
0x1e0: {  	[sflag:s0] =	ssyncadd.s32 @!p0 s1  }
0x1e1: {  	[bflag:$0x3] =	sbarrier.arrive $0xFFFF  }
0x1e2: {  	_ =	shalt  }

</sc_bundles>
